<compile_context>
chip_gen: v7x
topology: tpu7x:2x2x1
jax: 0.10.2.dev20260603
libtpu: 0.0.44.dev20260713+nightly
codegen_flags: <defaults>
</compile_context>

<pallas_src>
import jax
import jax.numpy as jnp
from jax import lax
from jax.experimental import pallas as pl
from jax.experimental.pallas import tpu as pltpu
from jax.experimental.pallas import tpu_sc as plsc

_NC = 2
_NS = 16
_NW = _NC * _NS
_TOPK = 8
_REP = 8


def _topk_body(qn_ref, kn_ref, idx_ref):
    qn = qn_ref[...]
    kn = kn_ref[...]
    st = lax.dot_general(
        kn, qn, (((1,), (1,)), ((), ())),
        preferred_element_type=jnp.float32,
    )
    s = st.T
    b, p = s.shape
    n_e = idx_ref.shape[1]
    e_len = n_e // _TOPK
    rows_per = b // _NW
    iota = lax.broadcasted_iota(jnp.int32, (b, p), 1)
    sub = lax.broadcasted_iota(jnp.int32, (b, e_len), 1)
    row = lax.broadcasted_iota(jnp.int32, (b, 1), 0)
    rep_off = ((row // rows_per) % _REP) * (p * e_len)
    cur = s
    for j in range(_TOPK):
        m = jnp.max(cur, axis=1, keepdims=True)
        sel = jnp.where(cur == m, iota, p)
        idx_j = jnp.min(sel, axis=1)
        idx_ref[:, pl.ds(j * e_len, e_len)] = (idx_j[:, None] * e_len + sub
                                               + rep_off)
        cur = jnp.where(iota == idx_j[:, None], -jnp.inf, cur)


def _sc_gather_body(pool_hbm, g_hbm, idx_hbm, out_hbm, idx_v, buf0, buf1,
                    sg0, sg1, sw0, sw1):
    rows_per = idx_v.shape[0]
    g_len = g_hbm.shape[0]
    n_e = idx_v.shape[1]
    base = (lax.axis_index("s") * _NC + lax.axis_index("c")) * rows_per

    pltpu.sync_copy(idx_hbm.at[pl.ds(base, rows_per)], idx_v)
    pltpu.sync_copy(g_hbm, buf0.at[pl.ds(0, g_len)])
    pltpu.sync_copy(g_hbm, buf1.at[pl.ds(0, g_len)])

    slots = ((buf0, sg0, sw0), (buf1, sg1, sw1))

    def g_copy(i, slot):
        buf, sg, _ = slots[slot]
        return pltpu.make_async_copy(pool_hbm.at[idx_v.at[i]],
                                     buf.at[pl.ds(g_len, n_e)], sg)

    def w_copy(i, slot):
        buf, _, sw = slots[slot]
        return pltpu.make_async_copy(buf, out_hbm.at[base + i], sw)

    g_copy(0, 0).start()

    def body(k, carry):
        for j in range(2):
            i = 2 * k + j
            s, s_o = j, 1 - j
            g_copy(i, s).wait()
            @pl.when(jnp.logical_and(i >= 1, i + 1 < rows_per))
            def _(i=i, s_o=s_o):
                w_copy(i - 1, s_o).wait()
            @pl.when(i + 1 < rows_per)
            def _(i=i, s_o=s_o):
                g_copy(i + 1, s_o).start()
            w_copy(i, s).start()
        return carry
    lax.fori_loop(0, rows_per // 2, body, 0)
    w_copy(rows_per - 2, 0).wait()
    w_copy(rows_per - 1, 1).wait()


def kernel(query, g_prompt, e_prompt_pool, e_prompt_keys):
    b, d = query.shape
    pool, e_len, _ = e_prompt_pool.shape
    g_len = g_prompt.shape[1]
    n_e = _TOPK * e_len

    qn = query / jnp.linalg.norm(query, axis=-1, keepdims=True)
    kn = e_prompt_keys / jnp.linalg.norm(e_prompt_keys, axis=-1, keepdims=True)

    idx = pl.pallas_call(
        _topk_body,
        out_shape=jax.ShapeDtypeStruct((b, n_e), jnp.int32),
    )(qn, kn)

    pool_rows = jnp.tile(e_prompt_pool.reshape(pool * e_len, d), (_REP, 1))
    g_rows = g_prompt.reshape(g_len, d)

    rows_per = b // _NW
    sc = pl.kernel(
        _sc_gather_body,
        out_type=jax.ShapeDtypeStruct((b, g_len + n_e, d), jnp.float32),
        mesh=plsc.VectorSubcoreMesh(core_axis_name="c", subcore_axis_name="s"),
        scratch_types=[
            pltpu.VMEM((rows_per, n_e), jnp.int32),
            pltpu.VMEM((g_len + n_e, d), jnp.float32),
            pltpu.VMEM((g_len + n_e, d), jnp.float32),
            pltpu.SemaphoreType.DMA,
            pltpu.SemaphoreType.DMA,
            pltpu.SemaphoreType.DMA,
            pltpu.SemaphoreType.DMA,
        ],
    )
    return sc(pool_rows, g_rows, idx)

# --- scband reference (transcript-rebuilt; emitter-appended) ---
"""Pipeline reference for scband-dual-prompt-7962869367536 (READ-ONLY COPY).

The authoritative reference and input builder live on the scoring server;
editing this copy changes nothing except your own understanding.
"""

import jax, jax.numpy as jnp
import numpy as np

G_LEN = 8
E_LEN = 8
POOL = 64
DIM = 768
TOPK = 8
BATCH = 1024

def _normalize(x, axis=-1, eps=1e-12):
    n = jnp.linalg.norm(x, axis=axis, keepdims=True)
    return x / jnp.maximum(n, eps)

def setup_inputs(seed: int = 0) -> dict:
    key = jax.random.key(seed)
    k1, k2, k3, k4 = jax.random.split(key, 4)
    query = jax.random.normal(k1, (BATCH, DIM), dtype=jnp.float32)
    g_prompt = jax.random.normal(k2, (1, G_LEN, DIM), dtype=jnp.float32) * 0.02
    e_prompt_pool = jax.random.normal(k3, (POOL, E_LEN, DIM), dtype=jnp.float32) * 0.02
    e_prompt_keys = jax.random.normal(k4, (POOL, DIM), dtype=jnp.float32) * 0.02
    return {"query": query, "g_prompt": g_prompt, "e_prompt_pool": e_prompt_pool, "e_prompt_keys": e_prompt_keys}

def reference(query, g_prompt, e_prompt_pool, e_prompt_keys):
    batch_size = query.shape[0]
    # G-Prompt: expand to batch
    g = jnp.broadcast_to(g_prompt, (batch_size, G_LEN, DIM))
    # E-Prompt selection: cosine similarity + top-k
    qn = _normalize(query, axis=-1)
    kn = _normalize(e_prompt_keys, axis=-1)
    similarities = jnp.matmul(qn, kn.T)  # [B, POOL]
    _, indices = jax.lax.top_k(similarities, TOPK)  # [B, TOPK]
    selected = jnp.take(e_prompt_pool, indices, axis=0)  # [B, TOPK, E_LEN, DIM]
    e = selected.reshape(batch_size, TOPK * E_LEN, DIM)
    return jnp.concatenate([g, e], axis=1)  # [B, G_LEN + TOPK*E_LEN, DIM]

if __name__ == "__main__":
    import jax
    _d = setup_inputs()
    print(jax.jit(kernel)(*tuple(_d.values())))

</pallas_src>

<mosaic_0001>
#map = affine_map<(d0, d1) -> (0, 0)>
#map1 = affine_map<(d0, d1) -> (0, 0, 0)>
module attributes {stable_mosaic.version = 14 : i64} {
  func.func @_sc_gather_body(%arg0: i32, %arg1: i32, %arg2: memref<4096x768xf32, #tpu.memory_space<hbm>>, %arg3: memref<8x768xf32, #tpu.memory_space<hbm>>, %arg4: memref<1024x64xi32, #tpu.memory_space<hbm>>, %arg5: memref<1024x72x768xf32, #tpu.memory_space<hbm>>, %arg6: memref<32x64xi32, #tpu.memory_space<vmem>>, %arg7: memref<72x768xf32, #tpu.memory_space<vmem>>, %arg8: memref<72x768xf32, #tpu.memory_space<vmem>>, %arg9: memref<!tpu.dma_semaphore, #tpu.memory_space<semaphore_mem>>, %arg10: memref<!tpu.dma_semaphore, #tpu.memory_space<semaphore_mem>>, %arg11: memref<!tpu.dma_semaphore, #tpu.memory_space<semaphore_mem>>, %arg12: memref<!tpu.dma_semaphore, #tpu.memory_space<semaphore_mem>>) attributes {dimension_semantics = [#tpu.dimension_semantics<core_parallel>, #tpu.dimension_semantics<subcore_parallel>], iteration_bounds = array<i64: 2, 16>, scalar_prefetch = 0 : i64, scratch_operands = 7 : i64, tpu.core_type = #tpu.core_type<sc_vector_subcore>, window_params = [{transform_indices = #map}, {transform_indices = #map}, {transform_indices = #map}, {transform_indices = #map1}]} {
    %mul3A = arith.constant 2 : i32
    %mul3A_0 = arith.muli %arg1, %mul3A : i32
    %add3A = arith.addi %mul3A_0, %arg0 : i32
    %mul3A_1 = arith.constant 32 : i32
    %mul3A_2 = arith.muli %add3A, %mul3A_1 : i32
    "tpu.region"() ({
      %run_scoped3A = tpu.sem_alloc : memref<!tpu.dma_semaphore, #tpu.memory_space<semaphore_mem>>
      %dma_start3A_36 = arith.constant 0 : i32
      %dma_start3A_37 = tpu.memref_slice %arg4[%mul3A_2, %dma_start3A_36] : memref<1024x64xi32, #tpu.memory_space<hbm>> -> memref<32x64xi32, #tpu.memory_space<hbm>>
      %dma_start3A_38 = arith.constant 0 : i32
      %dma_start3A_39 = tpu.memref_slice %arg4[%mul3A_2, %dma_start3A_38] : memref<1024x64xi32, #tpu.memory_space<hbm>> -> memref<32x64xi32, #tpu.memory_space<hbm>>
      tpu.enqueue_dma source(%dma_start3A_39 : memref<32x64xi32, #tpu.memory_space<hbm>>) target(%arg6 : memref<32x64xi32, #tpu.memory_space<vmem>>) target_semaphore(%run_scoped3A : memref<!tpu.dma_semaphore, #tpu.memory_space<semaphore_mem>>)
      %dma_wait3A_40 = arith.constant 0 : i32
      %dma_wait3A_41 = tpu.memref_slice %arg4[%mul3A_2, %dma_wait3A_40] : memref<1024x64xi32, #tpu.memory_space<hbm>> -> memref<32x64xi32, #tpu.memory_space<hbm>>
      %dma_wait3A_42 = arith.constant 0 : i32
      %dma_wait3A_43 = tpu.memref_slice %arg4[%mul3A_2, %dma_wait3A_42] : memref<1024x64xi32, #tpu.memory_space<hbm>> -> memref<32x64xi32, #tpu.memory_space<hbm>>
      tpu.wait_dma2 semaphore(%run_scoped3A : memref<!tpu.dma_semaphore, #tpu.memory_space<semaphore_mem>>) src(%dma_wait3A_43 : memref<32x64xi32, #tpu.memory_space<hbm>>) dst(%arg6 : memref<32x64xi32, #tpu.memory_space<vmem>>)
      tpu.yield
    }) : () -> ()
    "tpu.region"() ({
      %run_scoped3A = tpu.sem_alloc : memref<!tpu.dma_semaphore, #tpu.memory_space<semaphore_mem>>
      %dma_start3A_36 = arith.constant 0 : i32
      %dma_start3A_37 = arith.constant 0 : i32
      %dma_start3A_38 = tpu.memref_slice %arg7[%dma_start3A_36, %dma_start3A_37] : memref<72x768xf32, #tpu.memory_space<vmem>> -> memref<8x768xf32, #tpu.memory_space<vmem>>
      %dma_start3A_39 = arith.constant 0 : i32
      %dma_start3A_40 = arith.constant 0 : i32
      %dma_start3A_41 = tpu.memref_slice %arg7[%dma_start3A_39, %dma_start3A_40] : memref<72x768xf32, #tpu.memory_space<vmem>> -> memref<8x768xf32, #tpu.memory_space<vmem>>
      tpu.enqueue_dma source(%arg3 : memref<8x768xf32, #tpu.memory_space<hbm>>) target(%dma_start3A_41 : memref<8x768xf32, #tpu.memory_space<vmem>>) target_semaphore(%run_scoped3A : memref<!tpu.dma_semaphore, #tpu.memory_space<semaphore_mem>>)
      %dma_wait3A_42 = arith.constant 0 : i32
      %dma_wait3A_43 = arith.constant 0 : i32
      %dma_wait3A_44 = tpu.memref_slice %arg7[%dma_wait3A_42, %dma_wait3A_43] : memref<72x768xf32, #tpu.memory_space<vmem>> -> memref<8x768xf32, #tpu.memory_space<vmem>>
      %dma_wait3A_45 = arith.constant 0 : i32
      %dma_wait3A_46 = arith.constant 0 : i32
      %dma_wait3A_47 = tpu.memref_slice %arg7[%dma_wait3A_45, %dma_wait3A_46] : memref<72x768xf32, #tpu.memory_space<vmem>> -> memref<8x768xf32, #tpu.memory_space<vmem>>
      tpu.wait_dma2 semaphore(%run_scoped3A : memref<!tpu.dma_semaphore, #tpu.memory_space<semaphore_mem>>) src(%arg3 : memref<8x768xf32, #tpu.memory_space<hbm>>) dst(%dma_wait3A_47 : memref<8x768xf32, #tpu.memory_space<vmem>>)
      tpu.yield
    }) : () -> ()
    "tpu.region"() ({
      %run_scoped3A = tpu.sem_alloc : memref<!tpu.dma_semaphore, #tpu.memory_space<semaphore_mem>>
      %dma_start3A_36 = arith.constant 0 : i32
      %dma_start3A_37 = arith.constant 0 : i32
      %dma_start3A_38 = tpu.memref_slice %arg8[%dma_start3A_36, %dma_start3A_37] : memref<72x768xf32, #tpu.memory_space<vmem>> -> memref<8x768xf32, #tpu.memory_space<vmem>>
      %dma_start3A_39 = arith.constant 0 : i32
      %dma_start3A_40 = arith.constant 0 : i32
      %dma_start3A_41 = tpu.memref_slice %arg8[%dma_start3A_39, %dma_start3A_40] : memref<72x768xf32, #tpu.memory_space<vmem>> -> memref<8x768xf32, #tpu.memory_space<vmem>>
      tpu.enqueue_dma source(%arg3 : memref<8x768xf32, #tpu.memory_space<hbm>>) target(%dma_start3A_41 : memref<8x768xf32, #tpu.memory_space<vmem>>) target_semaphore(%run_scoped3A : memref<!tpu.dma_semaphore, #tpu.memory_space<semaphore_mem>>)
      %dma_wait3A_42 = arith.constant 0 : i32
      %dma_wait3A_43 = arith.constant 0 : i32
      %dma_wait3A_44 = tpu.memref_slice %arg8[%dma_wait3A_42, %dma_wait3A_43] : memref<72x768xf32, #tpu.memory_space<vmem>> -> memref<8x768xf32, #tpu.memory_space<vmem>>
      %dma_wait3A_45 = arith.constant 0 : i32
      %dma_wait3A_46 = arith.constant 0 : i32
      %dma_wait3A_47 = tpu.memref_slice %arg8[%dma_wait3A_45, %dma_wait3A_46] : memref<72x768xf32, #tpu.memory_space<vmem>> -> memref<8x768xf32, #tpu.memory_space<vmem>>
      tpu.wait_dma2 semaphore(%run_scoped3A : memref<!tpu.dma_semaphore, #tpu.memory_space<semaphore_mem>>) src(%arg3 : memref<8x768xf32, #tpu.memory_space<hbm>>) dst(%dma_wait3A_47 : memref<8x768xf32, #tpu.memory_space<vmem>>)
      tpu.yield
    }) : () -> ()
    %dma_start3A = arith.constant 0 : i32
    %dma_start3A_3 = arith.constant 8 : i32
    %dma_start3A_4 = arith.constant 0 : i32
    %dma_start3A_5 = tpu.memref_slice %arg7[%dma_start3A_3, %dma_start3A_4] : memref<72x768xf32, #tpu.memory_space<vmem>> -> memref<64x768xf32, #tpu.memory_space<vmem>>
    %dma_start3A_6 = arith.constant 0 : i32
    %dma_start3A_7 = tpu.memref_slice %arg6[%dma_start3A, %dma_start3A_6] : memref<32x64xi32, #tpu.memory_space<vmem>> -> memref<1x64xi32, #tpu.memory_space<vmem>>
    %dma_start3A_8 = tpu.memref_squeeze %dma_start3A_7 : memref<1x64xi32, #tpu.memory_space<vmem>> -> memref<64xi32, #tpu.memory_space<vmem>>
    %dma_start3A_9 = arith.constant 0 : i32
    %dma_start3A_10 = arith.constant 0 : i32
    %dma_start3A_11 = tpu.memref_slice %arg2[%dma_start3A_9, %dma_start3A_10] : memref<4096x768xf32, #tpu.memory_space<hbm>> -> memref<4096x768xf32, #tpu.memory_space<hbm>>
    tpu.enqueue_indirect_dma source(%dma_start3A_11 : memref<4096x768xf32, #tpu.memory_space<hbm>>) target(%dma_start3A_5 : memref<64x768xf32, #tpu.memory_space<vmem>>) offsets(%dma_start3A_8 : memref<64xi32, #tpu.memory_space<vmem>>) semaphore(%arg9 : memref<!tpu.dma_semaphore, #tpu.memory_space<semaphore_mem>>)
    %scan3A = arith.constant 0 : i32
    %scan3A_12 = arith.constant 0 : i32
    %scan3A_13 = arith.constant 16 : i32
    %scan3A_14 = arith.addi %scan3A_12, %scan3A_13 : i32
    %scan3A_15 = arith.constant 1 : i32
    scf.for %scan3A_36 = %scan3A_12 to %scan3A_14 step %scan3A_15  : i32 {
      %mul3A_37 = arith.constant 2 : i32
      %mul3A_38 = arith.muli %mul3A_37, %scan3A_36 : i32
      %add3A_39 = arith.constant 0 : i32
      %add3A_40 = arith.addi %mul3A_38, %add3A_39 : i32
      %dma_wait3A_41 = arith.constant 8 : i32
      %dma_wait3A_42 = arith.constant 0 : i32
      %dma_wait3A_43 = tpu.memref_slice %arg7[%dma_wait3A_41, %dma_wait3A_42] : memref<72x768xf32, #tpu.memory_space<vmem>> -> memref<64x768xf32, #tpu.memory_space<vmem>>
      %dma_wait3A_44 = arith.constant 0 : i32
      %dma_wait3A_45 = tpu.memref_slice %arg6[%add3A_40, %dma_wait3A_44] : memref<32x64xi32, #tpu.memory_space<vmem>> -> memref<1x64xi32, #tpu.memory_space<vmem>>
      %dma_wait3A_46 = tpu.memref_squeeze %dma_wait3A_45 : memref<1x64xi32, #tpu.memory_space<vmem>> -> memref<64xi32, #tpu.memory_space<vmem>>
      %dma_wait3A_47 = arith.constant 0 : i32
      %dma_wait3A_48 = arith.constant 0 : i32
      %dma_wait3A_49 = tpu.memref_slice %arg2[%dma_wait3A_47, %dma_wait3A_48] : memref<4096x768xf32, #tpu.memory_space<hbm>> -> memref<4096x768xf32, #tpu.memory_space<hbm>>
      tpu.wait_indirect_dma semaphore(%arg9 : memref<!tpu.dma_semaphore, #tpu.memory_space<semaphore_mem>>) src(%dma_wait3A_49 : memref<4096x768xf32, #tpu.memory_space<hbm>>) dst(%dma_wait3A_43 : memref<64x768xf32, #tpu.memory_space<vmem>>)
      %ge3A = arith.constant 1 : i32
      %ge3A_50 = arith.cmpi sge, %add3A_40, %ge3A : i32
      %add3A_51 = arith.constant 1 : i32
      %add3A_52 = arith.addi %add3A_40, %add3A_51 : i32
      %lt3A = arith.constant 32 : i32
      %lt3A_53 = arith.cmpi slt, %add3A_52, %lt3A : i32
      %and3A = arith.andi %ge3A_50, %lt3A_53 : i1
      %convert_element_type3A = arith.extui %and3A : i1 to i32
      %cond3A = arith.constant 0 : i32
      %cond3A_54 = arith.cmpi ne, %convert_element_type3A, %cond3A : i32
      scf.if %cond3A_54 {
        %sub3A = arith.constant 1 : i32
        %sub3A_110 = arith.subi %add3A_40, %sub3A : i32
        %add3A_111 = arith.addi %mul3A_2, %sub3A_110 : i32
        %dma_wait3A_112 = arith.constant 0 : i32
        %dma_wait3A_113 = arith.constant 0 : i32
        %dma_wait3A_114 = tpu.memref_slice %arg5[%add3A_111, %dma_wait3A_112, %dma_wait3A_113] : memref<1024x72x768xf32, #tpu.memory_space<hbm>> -> memref<1x72x768xf32, #tpu.memory_space<hbm>>
        %dma_wait3A_115 = tpu.memref_squeeze %dma_wait3A_114 : memref<1x72x768xf32, #tpu.memory_space<hbm>> -> memref<72x768xf32, #tpu.memory_space<hbm>>
        %dma_wait3A_116 = arith.constant 0 : i32
        %dma_wait3A_117 = arith.constant 0 : i32
        %dma_wait3A_118 = tpu.memref_slice %arg5[%add3A_111, %dma_wait3A_116, %dma_wait3A_117] : memref<1024x72x768xf32, #tpu.memory_space<hbm>> -> memref<1x72x768xf32, #tpu.memory_space<hbm>>
        %dma_wait3A_119 = tpu.memref_squeeze %dma_wait3A_118 : memref<1x72x768xf32, #tpu.memory_space<hbm>> -> memref<72x768xf32, #tpu.memory_space<hbm>>
        tpu.wait_dma2 semaphore(%arg12 : memref<!tpu.dma_semaphore, #tpu.memory_space<semaphore_mem>>) src(%arg8 : memref<72x768xf32, #tpu.memory_space<vmem>>) dst(%dma_wait3A_119 : memref<72x768xf32, #tpu.memory_space<hbm>>)
      } else {
      }
      %add3A_55 = arith.constant 1 : i32
      %add3A_56 = arith.addi %add3A_40, %add3A_55 : i32
      %lt3A_57 = arith.constant 32 : i32
      %lt3A_58 = arith.cmpi slt, %add3A_56, %lt3A_57 : i32
      %convert_element_type3A_59 = arith.extui %lt3A_58 : i1 to i32
      %cond3A_60 = arith.constant 0 : i32
      %cond3A_61 = arith.cmpi ne, %convert_element_type3A_59, %cond3A_60 : i32
      scf.if %cond3A_61 {
        %add3A_110 = arith.constant 1 : i32
        %add3A_111 = arith.addi %add3A_40, %add3A_110 : i32
        %dma_start3A_112 = arith.constant 8 : i32
        %dma_start3A_113 = arith.constant 0 : i32
        %dma_start3A_114 = tpu.memref_slice %arg8[%dma_start3A_112, %dma_start3A_113] : memref<72x768xf32, #tpu.memory_space<vmem>> -> memref<64x768xf32, #tpu.memory_space<vmem>>
        %dma_start3A_115 = arith.constant 0 : i32
        %dma_start3A_116 = tpu.memref_slice %arg6[%add3A_111, %dma_start3A_115] : memref<32x64xi32, #tpu.memory_space<vmem>> -> memref<1x64xi32, #tpu.memory_space<vmem>>
        %dma_start3A_117 = tpu.memref_squeeze %dma_start3A_116 : memref<1x64xi32, #tpu.memory_space<vmem>> -> memref<64xi32, #tpu.memory_space<vmem>>
        %dma_start3A_118 = arith.constant 0 : i32
        %dma_start3A_119 = arith.constant 0 : i32
        %dma_start3A_120 = tpu.memref_slice %arg2[%dma_start3A_118, %dma_start3A_119] : memref<4096x768xf32, #tpu.memory_space<hbm>> -> memref<4096x768xf32, #tpu.memory_space<hbm>>
        tpu.enqueue_indirect_dma source(%dma_start3A_120 : memref<4096x768xf32, #tpu.memory_space<hbm>>) target(%dma_start3A_114 : memref<64x768xf32, #tpu.memory_space<vmem>>) offsets(%dma_start3A_117 : memref<64xi32, #tpu.memory_space<vmem>>) semaphore(%arg10 : memref<!tpu.dma_semaphore, #tpu.memory_space<semaphore_mem>>)
      } else {
      }
      %add3A_62 = arith.addi %mul3A_2, %add3A_40 : i32
      %dma_start3A_63 = arith.constant 0 : i32
      %dma_start3A_64 = arith.constant 0 : i32
      %dma_start3A_65 = tpu.memref_slice %arg5[%add3A_62, %dma_start3A_63, %dma_start3A_64] : memref<1024x72x768xf32, #tpu.memory_space<hbm>> -> memref<1x72x768xf32, #tpu.memory_space<hbm>>
      %dma_start3A_66 = tpu.memref_squeeze %dma_start3A_65 : memref<1x72x768xf32, #tpu.memory_space<hbm>> -> memref<72x768xf32, #tpu.memory_space<hbm>>
      %dma_start3A_67 = arith.constant 0 : i32
      %dma_start3A_68 = arith.constant 0 : i32
      %dma_start3A_69 = tpu.memref_slice %arg5[%add3A_62, %dma_start3A_67, %dma_start3A_68] : memref<1024x72x768xf32, #tpu.memory_space<hbm>> -> memref<1x72x768xf32, #tpu.memory_space<hbm>>
      %dma_start3A_70 = tpu.memref_squeeze %dma_start3A_69 : memref<1x72x768xf32, #tpu.memory_space<hbm>> -> memref<72x768xf32, #tpu.memory_space<hbm>>
      tpu.enqueue_dma source(%arg7 : memref<72x768xf32, #tpu.memory_space<vmem>>) target(%dma_start3A_70 : memref<72x768xf32, #tpu.memory_space<hbm>>) target_semaphore(%arg11 : memref<!tpu.dma_semaphore, #tpu.memory_space<semaphore_mem>>)
      %mul3A_71 = arith.constant 2 : i32
      %mul3A_72 = arith.muli %mul3A_71, %scan3A_36 : i32
      %add3A_73 = arith.constant 1 : i32
      %add3A_74 = arith.addi %mul3A_72, %add3A_73 : i32
      %dma_wait3A_75 = arith.constant 8 : i32
      %dma_wait3A_76 = arith.constant 0 : i32
      %dma_wait3A_77 = tpu.memref_slice %arg8[%dma_wait3A_75, %dma_wait3A_76] : memref<72x768xf32, #tpu.memory_space<vmem>> -> memref<64x768xf32, #tpu.memory_space<vmem>>
      %dma_wait3A_78 = arith.constant 0 : i32
      %dma_wait3A_79 = tpu.memref_slice %arg6[%add3A_74, %dma_wait3A_78] : memref<32x64xi32, #tpu.memory_space<vmem>> -> memref<1x64xi32, #tpu.memory_space<vmem>>
      %dma_wait3A_80 = tpu.memref_squeeze %dma_wait3A_79 : memref<1x64xi32, #tpu.memory_space<vmem>> -> memref<64xi32, #tpu.memory_space<vmem>>
      %dma_wait3A_81 = arith.constant 0 : i32
      %dma_wait3A_82 = arith.constant 0 : i32
      %dma_wait3A_83 = tpu.memref_slice %arg2[%dma_wait3A_81, %dma_wait3A_82] : memref<4096x768xf32, #tpu.memory_space<hbm>> -> memref<4096x768xf32, #tpu.memory_space<hbm>>
      tpu.wait_indirect_dma semaphore(%arg10 : memref<!tpu.dma_semaphore, #tpu.memory_space<semaphore_mem>>) src(%dma_wait3A_83 : memref<4096x768xf32, #tpu.memory_space<hbm>>) dst(%dma_wait3A_77 : memref<64x768xf32, #tpu.memory_space<vmem>>)
      %ge3A_84 = arith.constant 1 : i32
      %ge3A_85 = arith.cmpi sge, %add3A_74, %ge3A_84 : i32
      %add3A_86 = arith.constant 1 : i32
      %add3A_87 = arith.addi %add3A_74, %add3A_86 : i32
      %lt3A_88 = arith.constant 32 : i32
      %lt3A_89 = arith.cmpi slt, %add3A_87, %lt3A_88 : i32
      %and3A_90 = arith.andi %ge3A_85, %lt3A_89 : i1
      %convert_element_type3A_91 = arith.extui %and3A_90 : i1 to i32
      %cond3A_92 = arith.constant 0 : i32
      %cond3A_93 = arith.cmpi ne, %convert_element_type3A_91, %cond3A_92 : i32
      scf.if %cond3A_93 {
        %sub3A = arith.constant 1 : i32
        %sub3A_110 = arith.subi %add3A_74, %sub3A : i32
        %add3A_111 = arith.addi %mul3A_2, %sub3A_110 : i32
        %dma_wait3A_112 = arith.constant 0 : i32
        %dma_wait3A_113 = arith.constant 0 : i32
        %dma_wait3A_114 = tpu.memref_slice %arg5[%add3A_111, %dma_wait3A_112, %dma_wait3A_113] : memref<1024x72x768xf32, #tpu.memory_space<hbm>> -> memref<1x72x768xf32, #tpu.memory_space<hbm>>
        %dma_wait3A_115 = tpu.memref_squeeze %dma_wait3A_114 : memref<1x72x768xf32, #tpu.memory_space<hbm>> -> memref<72x768xf32, #tpu.memory_space<hbm>>
        %dma_wait3A_116 = arith.constant 0 : i32
        %dma_wait3A_117 = arith.constant 0 : i32
        %dma_wait3A_118 = tpu.memref_slice %arg5[%add3A_111, %dma_wait3A_116, %dma_wait3A_117] : memref<1024x72x768xf32, #tpu.memory_space<hbm>> -> memref<1x72x768xf32, #tpu.memory_space<hbm>>
        %dma_wait3A_119 = tpu.memref_squeeze %dma_wait3A_118 : memref<1x72x768xf32, #tpu.memory_space<hbm>> -> memref<72x768xf32, #tpu.memory_space<hbm>>
        tpu.wait_dma2 semaphore(%arg11 : memref<!tpu.dma_semaphore, #tpu.memory_space<semaphore_mem>>) src(%arg7 : memref<72x768xf32, #tpu.memory_space<vmem>>) dst(%dma_wait3A_119 : memref<72x768xf32, #tpu.memory_space<hbm>>)
      } else {
      }
      %add3A_94 = arith.constant 1 : i32
      %add3A_95 = arith.addi %add3A_74, %add3A_94 : i32
      %lt3A_96 = arith.constant 32 : i32
      %lt3A_97 = arith.cmpi slt, %add3A_95, %lt3A_96 : i32
      %convert_element_type3A_98 = arith.extui %lt3A_97 : i1 to i32
      %cond3A_99 = arith.constant 0 : i32
      %cond3A_100 = arith.cmpi ne, %convert_element_type3A_98, %cond3A_99 : i32
      scf.if %cond3A_100 {
        %add3A_110 = arith.constant 1 : i32
        %add3A_111 = arith.addi %add3A_74, %add3A_110 : i32
        %dma_start3A_112 = arith.constant 8 : i32
        %dma_start3A_113 = arith.constant 0 : i32
        %dma_start3A_114 = tpu.memref_slice %arg7[%dma_start3A_112, %dma_start3A_113] : memref<72x768xf32, #tpu.memory_space<vmem>> -> memref<64x768xf32, #tpu.memory_space<vmem>>
        %dma_start3A_115 = arith.constant 0 : i32
        %dma_start3A_116 = tpu.memref_slice %arg6[%add3A_111, %dma_start3A_115] : memref<32x64xi32, #tpu.memory_space<vmem>> -> memref<1x64xi32, #tpu.memory_space<vmem>>
        %dma_start3A_117 = tpu.memref_squeeze %dma_start3A_116 : memref<1x64xi32, #tpu.memory_space<vmem>> -> memref<64xi32, #tpu.memory_space<vmem>>
        %dma_start3A_118 = arith.constant 0 : i32
        %dma_start3A_119 = arith.constant 0 : i32
        %dma_start3A_120 = tpu.memref_slice %arg2[%dma_start3A_118, %dma_start3A_119] : memref<4096x768xf32, #tpu.memory_space<hbm>> -> memref<4096x768xf32, #tpu.memory_space<hbm>>
        tpu.enqueue_indirect_dma source(%dma_start3A_120 : memref<4096x768xf32, #tpu.memory_space<hbm>>) target(%dma_start3A_114 : memref<64x768xf32, #tpu.memory_space<vmem>>) offsets(%dma_start3A_117 : memref<64xi32, #tpu.memory_space<vmem>>) semaphore(%arg9 : memref<!tpu.dma_semaphore, #tpu.memory_space<semaphore_mem>>)
      } else {
      }
      %add3A_101 = arith.addi %mul3A_2, %add3A_74 : i32
      %dma_start3A_102 = arith.constant 0 : i32
      %dma_start3A_103 = arith.constant 0 : i32
      %dma_start3A_104 = tpu.memref_slice %arg5[%add3A_101, %dma_start3A_102, %dma_start3A_103] : memref<1024x72x768xf32, #tpu.memory_space<hbm>> -> memref<1x72x768xf32, #tpu.memory_space<hbm>>
      %dma_start3A_105 = tpu.memref_squeeze %dma_start3A_104 : memref<1x72x768xf32, #tpu.memory_space<hbm>> -> memref<72x768xf32, #tpu.memory_space<hbm>>
      %dma_start3A_106 = arith.constant 0 : i32
      %dma_start3A_107 = arith.constant 0 : i32
      %dma_start3A_108 = tpu.memref_slice %arg5[%add3A_101, %dma_start3A_106, %dma_start3A_107] : memref<1024x72x768xf32, #tpu.memory_space<hbm>> -> memref<1x72x768xf32, #tpu.memory_space<hbm>>
      %dma_start3A_109 = tpu.memref_squeeze %dma_start3A_108 : memref<1x72x768xf32, #tpu.memory_space<hbm>> -> memref<72x768xf32, #tpu.memory_space<hbm>>
      tpu.enqueue_dma source(%arg8 : memref<72x768xf32, #tpu.memory_space<vmem>>) target(%dma_start3A_109 : memref<72x768xf32, #tpu.memory_space<hbm>>) target_semaphore(%arg12 : memref<!tpu.dma_semaphore, #tpu.memory_space<semaphore_mem>>)
    }
    %scan3A_16 = arith.constant 16 : i32
    %add3A_17 = arith.constant 30 : i32
    %add3A_18 = arith.addi %mul3A_2, %add3A_17 : i32
    %dma_wait3A = arith.constant 0 : i32
    %dma_wait3A_19 = arith.constant 0 : i32
    %dma_wait3A_20 = tpu.memref_slice %arg5[%add3A_18, %dma_wait3A, %dma_wait3A_19] : memref<1024x72x768xf32, #tpu.memory_space<hbm>> -> memref<1x72x768xf32, #tpu.memory_space<hbm>>
    %dma_wait3A_21 = tpu.memref_squeeze %dma_wait3A_20 : memref<1x72x768xf32, #tpu.memory_space<hbm>> -> memref<72x768xf32, #tpu.memory_space<hbm>>
    %dma_wait3A_22 = arith.constant 0 : i32
    %dma_wait3A_23 = arith.constant 0 : i32
    %dma_wait3A_24 = tpu.memref_slice %arg5[%add3A_18, %dma_wait3A_22, %dma_wait3A_23] : memref<1024x72x768xf32, #tpu.memory_space<hbm>> -> memref<1x72x768xf32, #tpu.memory_space<hbm>>
    %dma_wait3A_25 = tpu.memref_squeeze %dma_wait3A_24 : memref<1x72x768xf32, #tpu.memory_space<hbm>> -> memref<72x768xf32, #tpu.memory_space<hbm>>
    tpu.wait_dma2 semaphore(%arg11 : memref<!tpu.dma_semaphore, #tpu.memory_space<semaphore_mem>>) src(%arg7 : memref<72x768xf32, #tpu.memory_space<vmem>>) dst(%dma_wait3A_25 : memref<72x768xf32, #tpu.memory_space<hbm>>)
    %add3A_26 = arith.constant 31 : i32
    %add3A_27 = arith.addi %mul3A_2, %add3A_26 : i32
    %dma_wait3A_28 = arith.constant 0 : i32
    %dma_wait3A_29 = arith.constant 0 : i32
    %dma_wait3A_30 = tpu.memref_slice %arg5[%add3A_27, %dma_wait3A_28, %dma_wait3A_29] : memref<1024x72x768xf32, #tpu.memory_space<hbm>> -> memref<1x72x768xf32, #tpu.memory_space<hbm>>
    %dma_wait3A_31 = tpu.memref_squeeze %dma_wait3A_30 : memref<1x72x768xf32, #tpu.memory_space<hbm>> -> memref<72x768xf32, #tpu.memory_space<hbm>>
    %dma_wait3A_32 = arith.constant 0 : i32
    %dma_wait3A_33 = arith.constant 0 : i32
    %dma_wait3A_34 = tpu.memref_slice %arg5[%add3A_27, %dma_wait3A_32, %dma_wait3A_33] : memref<1024x72x768xf32, #tpu.memory_space<hbm>> -> memref<1x72x768xf32, #tpu.memory_space<hbm>>
    %dma_wait3A_35 = tpu.memref_squeeze %dma_wait3A_34 : memref<1x72x768xf32, #tpu.memory_space<hbm>> -> memref<72x768xf32, #tpu.memory_space<hbm>>
    tpu.wait_dma2 semaphore(%arg12 : memref<!tpu.dma_semaphore, #tpu.memory_space<semaphore_mem>>) src(%arg8 : memref<72x768xf32, #tpu.memory_space<vmem>>) dst(%dma_wait3A_35 : memref<72x768xf32, #tpu.memory_space<hbm>>)
    return
  }
}

module attributes {stable_mosaic.version = 14 : i64} {
  func.func @_topk_body(%arg0: memref<1024x768xf32, #tpu.memory_space<vmem>>, %arg1: memref<64x768xf32, #tpu.memory_space<vmem>>, %arg2: memref<1024x64xi32, #tpu.memory_space<vmem>>) attributes {dimension_semantics = [], scalar_prefetch = 0 : i64, scratch_operands = 0 : i64, tpu.core_type = #tpu.core_type<tc>} {
    %get3A = arith.constant 0 : index
    %get3A_0 = arith.constant 0 : index
    %get3A_1 = vector.load %arg0[%get3A, %get3A_0] : memref<1024x768xf32, #tpu.memory_space<vmem>>, vector<1024x768xf32>
    %get3A_2 = arith.constant 0 : index
    %get3A_3 = arith.constant 0 : index
    %get3A_4 = vector.load %arg1[%get3A_2, %get3A_3] : memref<64x768xf32, #tpu.memory_space<vmem>>, vector<64x768xf32>
    %dot_general3A = arith.constant dense<0.000000e+00> : vector<64x1024xf32>
    %dot_general3A_5 = tpu.matmul %get3A_4, %get3A_1, %dot_general3A {dimension_numbers = #tpu.dot_dimension_numbers<[1], [1], [0], [0], [0, 0, 1, 0], [], []>, transpose_lhs_hint = false} : vector<64x768xf32>, vector<1024x768xf32>, vector<64x1024xf32> -> vector<64x1024xf32>
    %transpose3A = tpu.transpose %dot_general3A_5, [1, 0] : vector<64x1024xf32> -> vector<1024x64xf32>
    %iota3A = tpu.iota {dimensions = array<i32: 1>} : vector<1024x64xi32>
    %iota3A_6 = tpu.iota {dimensions = array<i32: 1>} : vector<1024x8xi32>
    %iota3A_7 = tpu.iota {dimensions = array<i32: 0>} : vector<1024x1xi32>
    %jit3A = arith.constant 32 : i32
    %div3A = vector.broadcast %jit3A : i32 to vector<1024x1xi32>
    %div3A_8 = arith.divsi %iota3A_7, %div3A : vector<1024x1xi32>
    %sign3A = arith.constant 0 : i32
    %sign3A_9 = vector.broadcast %sign3A : i32 to vector<1024x1xi32>
    %sign3A_10 = arith.cmpi sgt, %iota3A_7, %sign3A_9 : vector<1024x1xi32>
    %sign3A_11 = arith.extui %sign3A_10 : vector<1024x1xi1> to vector<1024x1xi32>
    %sign3A_12 = arith.constant 0 : i32
    %sign3A_13 = vector.broadcast %sign3A_12 : i32 to vector<1024x1xi32>
    %sign3A_14 = arith.cmpi slt, %iota3A_7, %sign3A_13 : vector<1024x1xi32>
    %sign3A_15 = arith.extui %sign3A_14 : vector<1024x1xi1> to vector<1024x1xi32>
    %sign3A_16 = arith.subi %sign3A_11, %sign3A_15 : vector<1024x1xi32>
    %sign3A_17 = arith.constant 0 : i32
    %sign3A_18 = arith.cmpi sgt, %jit3A, %sign3A_17 : i32
    %sign3A_19 = arith.extui %sign3A_18 : i1 to i32
    %sign3A_20 = arith.constant 0 : i32
    %sign3A_21 = arith.cmpi slt, %jit3A, %sign3A_20 : i32
    %sign3A_22 = arith.extui %sign3A_21 : i1 to i32
    %sign3A_23 = arith.subi %sign3A_19, %sign3A_22 : i32
    %ne3A = vector.broadcast %sign3A_23 : i32 to vector<1024x1xi32>
    %ne3A_24 = arith.cmpi ne, %sign3A_16, %ne3A : vector<1024x1xi32>
    %rem3A = vector.broadcast %jit3A : i32 to vector<1024x1xi32>
    %rem3A_25 = arith.remsi %iota3A_7, %rem3A : vector<1024x1xi32>
    %ne3A_26 = arith.constant 0 : i32
    %ne3A_27 = vector.broadcast %ne3A_26 : i32 to vector<1024x1xi32>
    %ne3A_28 = arith.cmpi ne, %rem3A_25, %ne3A_27 : vector<1024x1xi32>
    %and3A = arith.andi %ne3A_24, %ne3A_28 : vector<1024x1xi1>
    %sub3A = arith.constant 1 : i32
    %sub3A_29 = vector.broadcast %sub3A : i32 to vector<1024x1xi32>
    %sub3A_30 = arith.subi %div3A_8, %sub3A_29 : vector<1024x1xi32>
    %select_n3A = arith.select %and3A, %sub3A_30, %div3A_8 : vector<1024x1xi1>, vector<1024x1xi32>
    %jit3A_31 = arith.constant 8 : i32
    %eq3A = arith.constant 0 : i32
    %eq3A_32 = arith.cmpi eq, %jit3A_31, %eq3A : i32
    %jit3A_33 = arith.constant 1 : i32
    %select_n3A_34 = arith.select %eq3A_32, %jit3A_33, %jit3A_31 : i32
    %rem3A_35 = vector.broadcast %select_n3A_34 : i32 to vector<1024x1xi32>
    %rem3A_36 = arith.remsi %select_n3A, %rem3A_35 : vector<1024x1xi32>
    %ne3A_37 = arith.constant 0 : i32
    %ne3A_38 = vector.broadcast %ne3A_37 : i32 to vector<1024x1xi32>
    %ne3A_39 = arith.cmpi ne, %rem3A_36, %ne3A_38 : vector<1024x1xi32>
    %lt3A = arith.constant 0 : i32
    %lt3A_40 = vector.broadcast %lt3A : i32 to vector<1024x1xi32>
    %lt3A_41 = arith.cmpi slt, %rem3A_36, %lt3A_40 : vector<1024x1xi32>
    %lt3A_42 = arith.constant 0 : i32
    %lt3A_43 = arith.cmpi slt, %select_n3A_34, %lt3A_42 : i32
    %ne3A_44 = vector.broadcast %lt3A_43 : i1 to vector<1024x1xi1>
    %ne3A_45 = vector.broadcast %ne3A_44 : vector<1024x1xi1> to vector<1024x1xi1>
    %ne3A_46 = arith.xori %lt3A_41, %ne3A_45 : vector<1024x1xi1>
    %and3A_47 = arith.andi %ne3A_46, %ne3A_39 : vector<1024x1xi1>
    %add3A = vector.broadcast %select_n3A_34 : i32 to vector<1024x1xi32>
    %add3A_48 = arith.addi %rem3A_36, %add3A : vector<1024x1xi32>
    %select_n3A_49 = arith.select %and3A_47, %add3A_48, %rem3A_36 : vector<1024x1xi1>, vector<1024x1xi32>
    %mul3A = arith.constant 512 : i32
    %mul3A_50 = vector.broadcast %mul3A : i32 to vector<1024x1xi32>
    %mul3A_51 = arith.muli %select_n3A_49, %mul3A_50 : vector<1024x1xi32>
    %reduce_max3A = arith.constant dense<0xFF800000> : vector<1024xf32>
    %reduce_max3A_52 = vector.multi_reduction <maximumf>, %transpose3A, %reduce_max3A [1] : vector<1024x64xf32> to vector<1024xf32>
    %broadcast_in_dim3A = vector.shape_cast %reduce_max3A_52 : vector<1024xf32> to vector<1024x1xf32>
    %eq3A_53 = vector.broadcast %broadcast_in_dim3A : vector<1024x1xf32> to vector<1024x64xf32>
    %eq3A_54 = arith.cmpf oeq, %transpose3A, %eq3A_53 : vector<1024x64xf32>
    %jit3A_55 = arith.constant 64 : i32
    %broadcast_in_dim3A_56 = vector.broadcast %jit3A_55 : i32 to vector<1024x64xi32>
    %select_n3A_57 = arith.select %eq3A_54, %iota3A, %broadcast_in_dim3A_56 : vector<1024x64xi1>, vector<1024x64xi32>
    %reduce_min3A = arith.constant dense<2147483647> : vector<1024xi32>
    %reduce_min3A_58 = vector.multi_reduction <minsi>, %select_n3A_57, %reduce_min3A [1] : vector<1024x64xi32> to vector<1024xi32>
    %broadcast_in_dim3A_59 = vector.shape_cast %reduce_min3A_58 : vector<1024xi32> to vector<1024x1xi32>
    %mul3A_60 = arith.constant 8 : i32
    %mul3A_61 = vector.broadcast %mul3A_60 : i32 to vector<1024x1xi32>
    %mul3A_62 = arith.muli %broadcast_in_dim3A_59, %mul3A_61 : vector<1024x1xi32>
    %add3A_63 = vector.broadcast %mul3A_62 : vector<1024x1xi32> to vector<1024x8xi32>
    %add3A_64 = arith.addi %add3A_63, %iota3A_6 : vector<1024x8xi32>
    %add3A_65 = vector.broadcast %mul3A_51 : vector<1024x1xi32> to vector<1024x8xi32>
    %add3A_66 = arith.addi %add3A_64, %add3A_65 : vector<1024x8xi32>
    %swap3A = arith.constant 0 : index
    %swap3A_67 = arith.constant 0 : index
    %swap3A_68 = vector.load %arg2[%swap3A, %swap3A_67] : memref<1024x64xi32, #tpu.memory_space<vmem>>, vector<1024x8xi32>
    tpu.vector_store %arg2[%swap3A, %swap3A_67], %add3A_66 {strides = array<i32>} : memref<1024x64xi32, #tpu.memory_space<vmem>>, vector<1024x8xi32>,
    %broadcast_in_dim3A_69 = vector.shape_cast %reduce_min3A_58 : vector<1024xi32> to vector<1024x1xi32>
    %eq3A_70 = vector.broadcast %broadcast_in_dim3A_69 : vector<1024x1xi32> to vector<1024x64xi32>
    %eq3A_71 = arith.cmpi eq, %iota3A, %eq3A_70 : vector<1024x64xi32>
    %jit3A_72 = arith.constant 0xFF800000 : f32
    %broadcast_in_dim3A_73 = vector.broadcast %jit3A_72 : f32 to vector<1024x64xf32>
    %select_n3A_74 = arith.select %eq3A_71, %broadcast_in_dim3A_73, %transpose3A : vector<1024x64xi1>, vector<1024x64xf32>
    %reduce_max3A_75 = arith.constant dense<0xFF800000> : vector<1024xf32>
    %reduce_max3A_76 = vector.multi_reduction <maximumf>, %select_n3A_74, %reduce_max3A_75 [1] : vector<1024x64xf32> to vector<1024xf32>
    %broadcast_in_dim3A_77 = vector.shape_cast %reduce_max3A_76 : vector<1024xf32> to vector<1024x1xf32>
    %eq3A_78 = vector.broadcast %broadcast_in_dim3A_77 : vector<1024x1xf32> to vector<1024x64xf32>
    %eq3A_79 = arith.cmpf oeq, %select_n3A_74, %eq3A_78 : vector<1024x64xf32>
    %jit3A_80 = arith.constant 64 : i32
    %broadcast_in_dim3A_81 = vector.broadcast %jit3A_80 : i32 to vector<1024x64xi32>
    %select_n3A_82 = arith.select %eq3A_79, %iota3A, %broadcast_in_dim3A_81 : vector<1024x64xi1>, vector<1024x64xi32>
    %reduce_min3A_83 = arith.constant dense<2147483647> : vector<1024xi32>
    %reduce_min3A_84 = vector.multi_reduction <minsi>, %select_n3A_82, %reduce_min3A_83 [1] : vector<1024x64xi32> to vector<1024xi32>
    %broadcast_in_dim3A_85 = vector.shape_cast %reduce_min3A_84 : vector<1024xi32> to vector<1024x1xi32>
    %mul3A_86 = arith.constant 8 : i32
    %mul3A_87 = vector.broadcast %mul3A_86 : i32 to vector<1024x1xi32>
    %mul3A_88 = arith.muli %broadcast_in_dim3A_85, %mul3A_87 : vector<1024x1xi32>
    %add3A_89 = vector.broadcast %mul3A_88 : vector<1024x1xi32> to vector<1024x8xi32>
    %add3A_90 = arith.addi %add3A_89, %iota3A_6 : vector<1024x8xi32>
    %add3A_91 = vector.broadcast %mul3A_51 : vector<1024x1xi32> to vector<1024x8xi32>
    %add3A_92 = arith.addi %add3A_90, %add3A_91 : vector<1024x8xi32>
    %swap3A_93 = arith.constant 0 : index
    %swap3A_94 = arith.constant 8 : index
    %swap3A_95 = vector.load %arg2[%swap3A_93, %swap3A_94] : memref<1024x64xi32, #tpu.memory_space<vmem>>, vector<1024x8xi32>
    tpu.vector_store %arg2[%swap3A_93, %swap3A_94], %add3A_92 {strides = array<i32>} : memref<1024x64xi32, #tpu.memory_space<vmem>>, vector<1024x8xi32>,
    %broadcast_in_dim3A_96 = vector.shape_cast %reduce_min3A_84 : vector<1024xi32> to vector<1024x1xi32>
    %eq3A_97 = vector.broadcast %broadcast_in_dim3A_96 : vector<1024x1xi32> to vector<1024x64xi32>
    %eq3A_98 = arith.cmpi eq, %iota3A, %eq3A_97 : vector<1024x64xi32>
    %jit3A_99 = arith.constant 0xFF800000 : f32
    %broadcast_in_dim3A_100 = vector.broadcast %jit3A_99 : f32 to vector<1024x64xf32>
    %select_n3A_101 = arith.select %eq3A_98, %broadcast_in_dim3A_100, %select_n3A_74 : vector<1024x64xi1>, vector<1024x64xf32>
    %reduce_max3A_102 = arith.constant dense<0xFF800000> : vector<1024xf32>
    %reduce_max3A_103 = vector.multi_reduction <maximumf>, %select_n3A_101, %reduce_max3A_102 [1] : vector<1024x64xf32> to vector<1024xf32>
    %broadcast_in_dim3A_104 = vector.shape_cast %reduce_max3A_103 : vector<1024xf32> to vector<1024x1xf32>
    %eq3A_105 = vector.broadcast %broadcast_in_dim3A_104 : vector<1024x1xf32> to vector<1024x64xf32>
    %eq3A_106 = arith.cmpf oeq, %select_n3A_101, %eq3A_105 : vector<1024x64xf32>
    %jit3A_107 = arith.constant 64 : i32
    %broadcast_in_dim3A_108 = vector.broadcast %jit3A_107 : i32 to vector<1024x64xi32>
    %select_n3A_109 = arith.select %eq3A_106, %iota3A, %broadcast_in_dim3A_108 : vector<1024x64xi1>, vector<1024x64xi32>
    %reduce_min3A_110 = arith.constant dense<2147483647> : vector<1024xi32>
    %reduce_min3A_111 = vector.multi_reduction <minsi>, %select_n3A_109, %reduce_min3A_110 [1] : vector<1024x64xi32> to vector<1024xi32>
    %broadcast_in_dim3A_112 = vector.shape_cast %reduce_min3A_111 : vector<1024xi32> to vector<1024x1xi32>
    %mul3A_113 = arith.constant 8 : i32
    %mul3A_114 = vector.broadcast %mul3A_113 : i32 to vector<1024x1xi32>
    %mul3A_115 = arith.muli %broadcast_in_dim3A_112, %mul3A_114 : vector<1024x1xi32>
    %add3A_116 = vector.broadcast %mul3A_115 : vector<1024x1xi32> to vector<1024x8xi32>
    %add3A_117 = arith.addi %add3A_116, %iota3A_6 : vector<1024x8xi32>
    %add3A_118 = vector.broadcast %mul3A_51 : vector<1024x1xi32> to vector<1024x8xi32>
    %add3A_119 = arith.addi %add3A_117, %add3A_118 : vector<1024x8xi32>
    %swap3A_120 = arith.constant 0 : index
    %swap3A_121 = arith.constant 16 : index
    %swap3A_122 = vector.load %arg2[%swap3A_120, %swap3A_121] : memref<1024x64xi32, #tpu.memory_space<vmem>>, vector<1024x8xi32>
    tpu.vector_store %arg2[%swap3A_120, %swap3A_121], %add3A_119 {strides = array<i32>} : memref<1024x64xi32, #tpu.memory_space<vmem>>, vector<1024x8xi32>,
    %broadcast_in_dim3A_123 = vector.shape_cast %reduce_min3A_111 : vector<1024xi32> to vector<1024x1xi32>
    %eq3A_124 = vector.broadcast %broadcast_in_dim3A_123 : vector<1024x1xi32> to vector<1024x64xi32>
    %eq3A_125 = arith.cmpi eq, %iota3A, %eq3A_124 : vector<1024x64xi32>
    %jit3A_126 = arith.constant 0xFF800000 : f32
    %broadcast_in_dim3A_127 = vector.broadcast %jit3A_126 : f32 to vector<1024x64xf32>
    %select_n3A_128 = arith.select %eq3A_125, %broadcast_in_dim3A_127, %select_n3A_101 : vector<1024x64xi1>, vector<1024x64xf32>
    %reduce_max3A_129 = arith.constant dense<0xFF800000> : vector<1024xf32>
    %reduce_max3A_130 = vector.multi_reduction <maximumf>, %select_n3A_128, %reduce_max3A_129 [1] : vector<1024x64xf32> to vector<1024xf32>
    %broadcast_in_dim3A_131 = vector.shape_cast %reduce_max3A_130 : vector<1024xf32> to vector<1024x1xf32>
    %eq3A_132 = vector.broadcast %broadcast_in_dim3A_131 : vector<1024x1xf32> to vector<1024x64xf32>
    %eq3A_133 = arith.cmpf oeq, %select_n3A_128, %eq3A_132 : vector<1024x64xf32>
    %jit3A_134 = arith.constant 64 : i32
    %broadcast_in_dim3A_135 = vector.broadcast %jit3A_134 : i32 to vector<1024x64xi32>
    %select_n3A_136 = arith.select %eq3A_133, %iota3A, %broadcast_in_dim3A_135 : vector<1024x64xi1>, vector<1024x64xi32>
    %reduce_min3A_137 = arith.constant dense<2147483647> : vector<1024xi32>
    %reduce_min3A_138 = vector.multi_reduction <minsi>, %select_n3A_136, %reduce_min3A_137 [1] : vector<1024x64xi32> to vector<1024xi32>
    %broadcast_in_dim3A_139 = vector.shape_cast %reduce_min3A_138 : vector<1024xi32> to vector<1024x1xi32>
    %mul3A_140 = arith.constant 8 : i32
    %mul3A_141 = vector.broadcast %mul3A_140 : i32 to vector<1024x1xi32>
    %mul3A_142 = arith.muli %broadcast_in_dim3A_139, %mul3A_141 : vector<1024x1xi32>
    %add3A_143 = vector.broadcast %mul3A_142 : vector<1024x1xi32> to vector<1024x8xi32>
    %add3A_144 = arith.addi %add3A_143, %iota3A_6 : vector<1024x8xi32>
    %add3A_145 = vector.broadcast %mul3A_51 : vector<1024x1xi32> to vector<1024x8xi32>
    %add3A_146 = arith.addi %add3A_144, %add3A_145 : vector<1024x8xi32>
    %swap3A_147 = arith.constant 0 : index
    %swap3A_148 = arith.constant 24 : index
    %swap3A_149 = vector.load %arg2[%swap3A_147, %swap3A_148] : memref<1024x64xi32, #tpu.memory_space<vmem>>, vector<1024x8xi32>
    tpu.vector_store %arg2[%swap3A_147, %swap3A_148], %add3A_146 {strides = array<i32>} : memref<1024x64xi32, #tpu.memory_space<vmem>>, vector<1024x8xi32>,
    %broadcast_in_dim3A_150 = vector.shape_cast %reduce_min3A_138 : vector<1024xi32> to vector<1024x1xi32>
    %eq3A_151 = vector.broadcast %broadcast_in_dim3A_150 : vector<1024x1xi32> to vector<1024x64xi32>
    %eq3A_152 = arith.cmpi eq, %iota3A, %eq3A_151 : vector<1024x64xi32>
    %jit3A_153 = arith.constant 0xFF800000 : f32
    %broadcast_in_dim3A_154 = vector.broadcast %jit3A_153 : f32 to vector<1024x64xf32>
    %select_n3A_155 = arith.select %eq3A_152, %broadcast_in_dim3A_154, %select_n3A_128 : vector<1024x64xi1>, vector<1024x64xf32>
    %reduce_max3A_156 = arith.constant dense<0xFF800000> : vector<1024xf32>
    %reduce_max3A_157 = vector.multi_reduction <maximumf>, %select_n3A_155, %reduce_max3A_156 [1] : vector<1024x64xf32> to vector<1024xf32>
    %broadcast_in_dim3A_158 = vector.shape_cast %reduce_max3A_157 : vector<1024xf32> to vector<1024x1xf32>
    %eq3A_159 = vector.broadcast %broadcast_in_dim3A_158 : vector<1024x1xf32> to vector<1024x64xf32>
    %eq3A_160 = arith.cmpf oeq, %select_n3A_155, %eq3A_159 : vector<1024x64xf32>
    %jit3A_161 = arith.constant 64 : i32
    %broadcast_in_dim3A_162 = vector.broadcast %jit3A_161 : i32 to vector<1024x64xi32>
    %select_n3A_163 = arith.select %eq3A_160, %iota3A, %broadcast_in_dim3A_162 : vector<1024x64xi1>, vector<1024x64xi32>
    %reduce_min3A_164 = arith.constant dense<2147483647> : vector<1024xi32>
    %reduce_min3A_165 = vector.multi_reduction <minsi>, %select_n3A_163, %reduce_min3A_164 [1] : vector<1024x64xi32> to vector<1024xi32>
    %broadcast_in_dim3A_166 = vector.shape_cast %reduce_min3A_165 : vector<1024xi32> to vector<1024x1xi32>
    %mul3A_167 = arith.constant 8 : i32
    %mul3A_168 = vector.broadcast %mul3A_167 : i32 to vector<1024x1xi32>
    %mul3A_169 = arith.muli %broadcast_in_dim3A_166, %mul3A_168 : vector<1024x1xi32>
    %add3A_170 = vector.broadcast %mul3A_169 : vector<1024x1xi32> to vector<1024x8xi32>
    %add3A_171 = arith.addi %add3A_170, %iota3A_6 : vector<1024x8xi32>
    %add3A_172 = vector.broadcast %mul3A_51 : vector<1024x1xi32> to vector<1024x8xi32>
    %add3A_173 = arith.addi %add3A_171, %add3A_172 : vector<1024x8xi32>
    %swap3A_174 = arith.constant 0 : index
    %swap3A_175 = arith.constant 32 : index
    %swap3A_176 = vector.load %arg2[%swap3A_174, %swap3A_175] : memref<1024x64xi32, #tpu.memory_space<vmem>>, vector<1024x8xi32>
    tpu.vector_store %arg2[%swap3A_174, %swap3A_175], %add3A_173 {strides = array<i32>} : memref<1024x64xi32, #tpu.memory_space<vmem>>, vector<1024x8xi32>,
    %broadcast_in_dim3A_177 = vector.shape_cast %reduce_min3A_165 : vector<1024xi32> to vector<1024x1xi32>
    %eq3A_178 = vector.broadcast %broadcast_in_dim3A_177 : vector<1024x1xi32> to vector<1024x64xi32>
    %eq3A_179 = arith.cmpi eq, %iota3A, %eq3A_178 : vector<1024x64xi32>
    %jit3A_180 = arith.constant 0xFF800000 : f32
    %broadcast_in_dim3A_181 = vector.broadcast %jit3A_180 : f32 to vector<1024x64xf32>
    %select_n3A_182 = arith.select %eq3A_179, %broadcast_in_dim3A_181, %select_n3A_155 : vector<1024x64xi1>, vector<1024x64xf32>
    %reduce_max3A_183 = arith.constant dense<0xFF800000> : vector<1024xf32>
    %reduce_max3A_184 = vector.multi_reduction <maximumf>, %select_n3A_182, %reduce_max3A_183 [1] : vector<1024x64xf32> to vector<1024xf32>
    %broadcast_in_dim3A_185 = vector.shape_cast %reduce_max3A_184 : vector<1024xf32> to vector<1024x1xf32>
    %eq3A_186 = vector.broadcast %broadcast_in_dim3A_185 : vector<1024x1xf32> to vector<1024x64xf32>
    %eq3A_187 = arith.cmpf oeq, %select_n3A_182, %eq3A_186 : vector<1024x64xf32>
    %jit3A_188 = arith.constant 64 : i32
    %broadcast_in_dim3A_189 = vector.broadcast %jit3A_188 : i32 to vector<1024x64xi32>
    %select_n3A_190 = arith.select %eq3A_187, %iota3A, %broadcast_in_dim3A_189 : vector<1024x64xi1>, vector<1024x64xi32>
    %reduce_min3A_191 = arith.constant dense<2147483647> : vector<1024xi32>
    %reduce_min3A_192 = vector.multi_reduction <minsi>, %select_n3A_190, %reduce_min3A_191 [1] : vector<1024x64xi32> to vector<1024xi32>
    %broadcast_in_dim3A_193 = vector.shape_cast %reduce_min3A_192 : vector<1024xi32> to vector<1024x1xi32>
    %mul3A_194 = arith.constant 8 : i32
    %mul3A_195 = vector.broadcast %mul3A_194 : i32 to vector<1024x1xi32>
    %mul3A_196 = arith.muli %broadcast_in_dim3A_193, %mul3A_195 : vector<1024x1xi32>
    %add3A_197 = vector.broadcast %mul3A_196 : vector<1024x1xi32> to vector<1024x8xi32>
    %add3A_198 = arith.addi %add3A_197, %iota3A_6 : vector<1024x8xi32>
    %add3A_199 = vector.broadcast %mul3A_51 : vector<1024x1xi32> to vector<1024x8xi32>
    %add3A_200 = arith.addi %add3A_198, %add3A_199 : vector<1024x8xi32>
    %swap3A_201 = arith.constant 0 : index
    %swap3A_202 = arith.constant 40 : index
    %swap3A_203 = vector.load %arg2[%swap3A_201, %swap3A_202] : memref<1024x64xi32, #tpu.memory_space<vmem>>, vector<1024x8xi32>
    tpu.vector_store %arg2[%swap3A_201, %swap3A_202], %add3A_200 {strides = array<i32>} : memref<1024x64xi32, #tpu.memory_space<vmem>>, vector<1024x8xi32>,
    %broadcast_in_dim3A_204 = vector.shape_cast %reduce_min3A_192 : vector<1024xi32> to vector<1024x1xi32>
    %eq3A_205 = vector.broadcast %broadcast_in_dim3A_204 : vector<1024x1xi32> to vector<1024x64xi32>
    %eq3A_206 = arith.cmpi eq, %iota3A, %eq3A_205 : vector<1024x64xi32>
    %jit3A_207 = arith.constant 0xFF800000 : f32
    %broadcast_in_dim3A_208 = vector.broadcast %jit3A_207 : f32 to vector<1024x64xf32>
    %select_n3A_209 = arith.select %eq3A_206, %broadcast_in_dim3A_208, %select_n3A_182 : vector<1024x64xi1>, vector<1024x64xf32>
    %reduce_max3A_210 = arith.constant dense<0xFF800000> : vector<1024xf32>
    %reduce_max3A_211 = vector.multi_reduction <maximumf>, %select_n3A_209, %reduce_max3A_210 [1] : vector<1024x64xf32> to vector<1024xf32>
    %broadcast_in_dim3A_212 = vector.shape_cast %reduce_max3A_211 : vector<1024xf32> to vector<1024x1xf32>
    %eq3A_213 = vector.broadcast %broadcast_in_dim3A_212 : vector<1024x1xf32> to vector<1024x64xf32>
    %eq3A_214 = arith.cmpf oeq, %select_n3A_209, %eq3A_213 : vector<1024x64xf32>
    %jit3A_215 = arith.constant 64 : i32
    %broadcast_in_dim3A_216 = vector.broadcast %jit3A_215 : i32 to vector<1024x64xi32>
    %select_n3A_217 = arith.select %eq3A_214, %iota3A, %broadcast_in_dim3A_216 : vector<1024x64xi1>, vector<1024x64xi32>
    %reduce_min3A_218 = arith.constant dense<2147483647> : vector<1024xi32>
    %reduce_min3A_219 = vector.multi_reduction <minsi>, %select_n3A_217, %reduce_min3A_218 [1] : vector<1024x64xi32> to vector<1024xi32>
    %broadcast_in_dim3A_220 = vector.shape_cast %reduce_min3A_219 : vector<1024xi32> to vector<1024x1xi32>
    %mul3A_221 = arith.constant 8 : i32
    %mul3A_222 = vector.broadcast %mul3A_221 : i32 to vector<1024x1xi32>
    %mul3A_223 = arith.muli %broadcast_in_dim3A_220, %mul3A_222 : vector<1024x1xi32>
    %add3A_224 = vector.broadcast %mul3A_223 : vector<1024x1xi32> to vector<1024x8xi32>
    %add3A_225 = arith.addi %add3A_224, %iota3A_6 : vector<1024x8xi32>
    %add3A_226 = vector.broadcast %mul3A_51 : vector<1024x1xi32> to vector<1024x8xi32>
    %add3A_227 = arith.addi %add3A_225, %add3A_226 : vector<1024x8xi32>
    %swap3A_228 = arith.constant 0 : index
    %swap3A_229 = arith.constant 48 : index
    %swap3A_230 = vector.load %arg2[%swap3A_228, %swap3A_229] : memref<1024x64xi32, #tpu.memory_space<vmem>>, vector<1024x8xi32>
    tpu.vector_store %arg2[%swap3A_228, %swap3A_229], %add3A_227 {strides = array<i32>} : memref<1024x64xi32, #tpu.memory_space<vmem>>, vector<1024x8xi32>,
    %broadcast_in_dim3A_231 = vector.shape_cast %reduce_min3A_219 : vector<1024xi32> to vector<1024x1xi32>
    %eq3A_232 = vector.broadcast %broadcast_in_dim3A_231 : vector<1024x1xi32> to vector<1024x64xi32>
    %eq3A_233 = arith.cmpi eq, %iota3A, %eq3A_232 : vector<1024x64xi32>
    %jit3A_234 = arith.constant 0xFF800000 : f32
    %broadcast_in_dim3A_235 = vector.broadcast %jit3A_234 : f32 to vector<1024x64xf32>
    %select_n3A_236 = arith.select %eq3A_233, %broadcast_in_dim3A_235, %select_n3A_209 : vector<1024x64xi1>, vector<1024x64xf32>
    %reduce_max3A_237 = arith.constant dense<0xFF800000> : vector<1024xf32>
    %reduce_max3A_238 = vector.multi_reduction <maximumf>, %select_n3A_236, %reduce_max3A_237 [1] : vector<1024x64xf32> to vector<1024xf32>
    %broadcast_in_dim3A_239 = vector.shape_cast %reduce_max3A_238 : vector<1024xf32> to vector<1024x1xf32>
    %eq3A_240 = vector.broadcast %broadcast_in_dim3A_239 : vector<1024x1xf32> to vector<1024x64xf32>
    %eq3A_241 = arith.cmpf oeq, %select_n3A_236, %eq3A_240 : vector<1024x64xf32>
    %jit3A_242 = arith.constant 64 : i32
    %broadcast_in_dim3A_243 = vector.broadcast %jit3A_242 : i32 to vector<1024x64xi32>
    %select_n3A_244 = arith.select %eq3A_241, %iota3A, %broadcast_in_dim3A_243 : vector<1024x64xi1>, vector<1024x64xi32>
    %reduce_min3A_245 = arith.constant dense<2147483647> : vector<1024xi32>
    %reduce_min3A_246 = vector.multi_reduction <minsi>, %select_n3A_244, %reduce_min3A_245 [1] : vector<1024x64xi32> to vector<1024xi32>
    %broadcast_in_dim3A_247 = vector.shape_cast %reduce_min3A_246 : vector<1024xi32> to vector<1024x1xi32>
    %mul3A_248 = arith.constant 8 : i32
    %mul3A_249 = vector.broadcast %mul3A_248 : i32 to vector<1024x1xi32>
    %mul3A_250 = arith.muli %broadcast_in_dim3A_247, %mul3A_249 : vector<1024x1xi32>
    %add3A_251 = vector.broadcast %mul3A_250 : vector<1024x1xi32> to vector<1024x8xi32>
    %add3A_252 = arith.addi %add3A_251, %iota3A_6 : vector<1024x8xi32>
    %add3A_253 = vector.broadcast %mul3A_51 : vector<1024x1xi32> to vector<1024x8xi32>
    %add3A_254 = arith.addi %add3A_252, %add3A_253 : vector<1024x8xi32>
    %swap3A_255 = arith.constant 0 : index
    %swap3A_256 = arith.constant 56 : index
    %swap3A_257 = vector.load %arg2[%swap3A_255, %swap3A_256] : memref<1024x64xi32, #tpu.memory_space<vmem>>, vector<1024x8xi32>
    tpu.vector_store %arg2[%swap3A_255, %swap3A_256], %add3A_254 {strides = array<i32>} : memref<1024x64xi32, #tpu.memory_space<vmem>>, vector<1024x8xi32>,
    return
  }
}

</mosaic_0001>

<sc_bundles>
// kernel: kernel.4.cloned.1.call-start
scs
__scs_entry_jumppad:
0x0: {  	(pc) =	sbr.rel $0x88, $3  }
0x1: {  	(tag) =	ssettag $0x0;
	lr =	simm.s32 $0x1  }
0x2: {  	[smem:$0x3F9D] =	sst lr;
	_ =	strace $0xD0000000  }
0x3: {  	_ = 	snop  }
0x4: {  	_ = 	snop  }
0x5: {  	_ = 	snop  }
0x6: {  	_ = 	snop  }
0x7: {  	_ = 	snop  }
__scs_overlays_trampoline_lowered:
0x8: {  	[smem:$0x3FAC] =	sst s0  }
0x9: {  	[smem:$0x3FAD] =	sst s1  }
0xa: {  	[smem:$0x3FAE] =	sst s2  }
0xb: {  	[smem:$0x3FAF] =	sst s3  }
0xc: {  	[smem:$0x3FB0] =	sst s4  }
0xd: {  	[smem:$0x3FB1] =	sst s5  }
0xe: {  	[smem:$0x3FB2] =	sst s6  }
0xf: {  	[smem:$0x3FB3] =	sst s7  }
0x10: {  	[smem:$0x3FB4] =	sst s8  }
0x11: {  	[smem:$0x3FB5] =	sst s9;
	s0 =	simm.s32 @!p0 $0x0  }
0x12: {  	s1 =	sld [smem:$0x3F9B];
	s0 =	simm.s32 @p0 $0x1  }
0x13: {  	[smem:$0x3FB6] =	sst s0;
	s0 =	simm.s32 @!p1 $0x0  }
0x14: {  	s2 =	sld [smem:$0x3F9A];
	s0 =	simm.s32 @p1 $0x1  }
0x15: {  	[smem:$0x3FB7] =	sst s0;
	s0 =	simm.s32 @!p2 $0x0  }
0x16: {  	s3 =	sld [smem:$0x3FDB];
	s0 =	simm.s32 @p2 $0x1  }
0x17: {  	s4 =	simm.s32 $0x1BF5;
	[smem:$0x3FB9] =	sst s0  }
0x18: {  	s0 =	sld [smem:$0x3F9C];
	_ =	swait.ge [sflag:s4], $0x0  }
0x19: {  	s7 =	sld [smem:$0x3F9D]  }
0x1a: {  	s8 =	sadd.s32 $0xFFFFE003, lr  }
0x1b: {  	s9 =	sadd.s32 $0xFFFFFEF7, lr;
	s5 =	simm.s32 $0xFFFFFFFF;
	p2 =	slt.u32 s8, $0xFFFFF086  }
0x1c: {  	p1 =	slt.u32 s9, $0xF7A;
	s5 =	simm.s32 @!p2 $0x0  }
0x1d: {  	s5 =	simm.s32 @p1 $0x1;
	p0 =	seq.s32 s7, s2  }
0x1e: {  	s7 =	smul.u32 @!p0 $0xF7A, s2;
	p2 =	seq.s32 @!p0 s5, $0x0  }
0x1f: {  	s9 =	smul.u32 $0xF7A, s1;
	s8 =	simm.s32 @!p0 $0x1BF5;
	p2 =	por !p2, p0  }
0x20: {  	[sflag:s8] =	ssyncset.s32 @!p0 $0xFFFFF086;
	s6 =	sadd.s32 @!p0 s3, s7;
	s7 =	simm.s32 @!p0 $0x108  }
0x21: {  	s3 =	sadd.s32 s3, s9;
	s6 =	sadd.s32 @!p0 $0x88, s6;
	s7 =	simm.s32 @p2 $0x1082  }
0x22: {  	[simem:s7], [sflag:s8] =	dma.local @!p0 [hbm:s6], $0xF7A  }
0x23: {  	s9 =	sor.u32 $0xD0000000, s2;
	s6 =	simm.s32 $0x108;
	_ =	swait.ge @!p0 [sflag:s8], $0x0  }
0x24: {  	s3 =	sadd.s32 $0x88, s3;
	s6 =	simm.s32 @!p1 $0x1082;
	[sflag:s4] =	ssyncset.s32 $0xFFFFF086  }
0x25: {  	[simem:s6], [sflag:s4] =	dma.local [hbm:s3], $0xF7A  }
0x26: {  	[smem:$0x3F9D] =	sst s1;
	(tag) =	ssettag s2;
	_ =	strace s9  }
0x27: {  	s1 =	sld [smem:$0x3FAD]  }
0x28: {  	s2 =	sld [smem:$0x3FAE]  }
0x29: {  	s4 =	sld [smem:$0x3FB0]  }
0x2a: {  	p0 =	seq.s32 s5, $0x0;
	s5 =	sld [smem:$0x3FB1]  }
0x2b: {  	s6 =	sld [smem:$0x3FB2]  }
0x2c: {  	s7 =	sld [smem:$0x3FB3]  }
0x2d: {  	s3 =	simm.s32 $0x108;
	s8 =	sld [smem:$0x3FB4]  }
0x2e: {  	s3 =	simm.s32 @!p0 $0x1082;
	s9 =	sld [smem:$0x3FB5]  }
0x2f: {  	lr =	sadd.s32 s0, s3;
	s0 =	sld [smem:$0x3FAC]  }
0x30: {  	s3 =	sld [smem:$0x3FAF]  }
0x31: {  	[smem:$0x3FB8] =	sst s10  }
0x32: {  	s10 =	sld [smem:$0x3FB6];
	_ =	sdelay $0x3  }
0x33: {  	p0 =	seq.s32 s10, $0x1;
	s10 =	sld [smem:$0x3FB8];
	_ =	sdelay $0x3  }
0x34: {  	[smem:$0x3FB8] =	sst s10  }
0x35: {  	s10 =	sld [smem:$0x3FB7];
	_ =	sdelay $0x3  }
0x36: {  	p1 =	seq.s32 s10, $0x1;
	s10 =	sld [smem:$0x3FB8];
	_ =	sdelay $0x3  }
0x37: {  	[smem:$0x3FB8] =	sst s10  }
0x38: {  	s10 =	sld [smem:$0x3FB9]  }
0x39: {  	_ = 	snop;
	(pc) =	sbr.ind lr, $3  }
0x3a: {  	_ = 	snop  }
0x3b: {  	_ = 	snop  }
0x3c: {  	p2 =	seq.s32 s10, $0x1;
	s10 =	sld [smem:$0x3FB8]  }
0x3d: {  	_ =	shalt  }
0x3e: {  	_ =	shalt  }
0x3f: {  	_ =	shalt  }
0x40: {  	_ =	shalt  }
0x41: {  	_ =	shalt  }
0x42: {  	_ =	shalt  }
0x43: {  	_ =	shalt  }
0x44: {  	_ =	shalt  }
0x45: {  	_ =	shalt  }
0x46: {  	_ =	shalt  }
0x47: {  	_ =	shalt  }
0x48: {  	_ =	shalt  }
0x49: {  	_ =	shalt  }
0x4a: {  	_ =	shalt  }
0x4b: {  	_ =	shalt  }
0x4c: {  	_ =	shalt  }
0x4d: {  	_ =	shalt  }
0x4e: {  	_ =	shalt  }
0x4f: {  	_ =	shalt  }
0x50: {  	_ =	shalt  }
0x51: {  	_ =	shalt  }
0x52: {  	_ =	shalt  }
0x53: {  	_ =	shalt  }
0x54: {  	_ =	shalt  }
0x55: {  	_ =	shalt  }
0x56: {  	_ =	shalt  }
0x57: {  	_ =	shalt  }
0x58: {  	_ =	shalt  }
0x59: {  	_ =	shalt  }
0x5a: {  	_ =	shalt  }
0x5b: {  	_ =	shalt  }
0x5c: {  	_ =	shalt  }
0x5d: {  	_ =	shalt  }
0x5e: {  	_ =	shalt  }
0x5f: {  	_ =	shalt  }
0x60: {  	_ =	shalt  }
0x61: {  	_ =	shalt  }
0x62: {  	_ =	shalt  }
0x63: {  	_ =	shalt  }
0x64: {  	_ =	shalt  }
0x65: {  	_ =	shalt  }
0x66: {  	_ =	shalt  }
0x67: {  	_ =	shalt  }
0x68: {  	_ =	shalt  }
0x69: {  	_ =	shalt  }
0x6a: {  	_ =	shalt  }
0x6b: {  	_ =	shalt  }
0x6c: {  	_ =	shalt  }
0x6d: {  	_ =	shalt  }
0x6e: {  	_ =	shalt  }
0x6f: {  	_ =	shalt  }
0x70: {  	_ =	shalt  }
0x71: {  	_ =	shalt  }
0x72: {  	_ =	shalt  }
0x73: {  	_ =	shalt  }
0x74: {  	_ =	shalt  }
0x75: {  	_ =	shalt  }
0x76: {  	_ =	shalt  }
0x77: {  	_ =	shalt  }
0x78: {  	_ =	shalt  }
0x79: {  	_ =	shalt  }
0x7a: {  	_ =	shalt  }
0x7b: {  	_ =	shalt  }
0x7c: {  	_ =	shalt  }
0x7d: {  	_ =	shalt  }
0x7e: {  	_ =	shalt  }
0x7f: {  	_ =	shalt  }
0x80: {  	_ =	shalt  }
0x81: {  	_ =	shalt  }
0x82: {  	_ =	shalt  }
0x83: {  	_ =	shalt  }
0x84: {  	_ =	shalt  }
0x85: {  	_ =	shalt  }
0x86: {  	_ =	shalt  }
0x87: {  	_ =	shalt  }
.Lfunc_end0:
.L_simem_size_0:
called_computation_lowered:
.L_overlay_start_0:
0x88: {  	s2 =	sld [smem:$0x3FD9]  }
0x89: {  	s3 =	sld [smem:$0x3FFE];
	_ =	sdelay $0x1  }
0x8a: {  	s1 =	srdreg.scid  }
0x8b: {  	s0 =	sand.u32 $0x1, s1  }
0x8c: {  	s17 =	sshll.u32 s0, $0xA;
	s2 =	sadd.s32 s3, s2  }
0x8d: {  	s2 =	sadd.s32 s2, s17  }
0x8e: {  	[smem:$0x3FC4] =	sst s2  }
0x8f: {  	_ = 	snop  }
0x90: {  	s2 =	sld [smem:$0x3FC8]  }
0x91: {  	s18 =	sld [smem:$0x3FD0];
	(tm) =	ssettm $0x1  }
0x92: {  	s4 =	sld [smem:$0x3FFB];
	_ =	sdelay $0x3  }
0x93: {  	_ =	strace s4  }
0x94: {  	s4 =	sld [smem:$0x3FFC];
	_ =	sdelay $0x3  }
0x95: {  	_ =	strace s4  }
0x96: {  	s4 =	sld [smem:$0x3FFD];
	_ =	sdelay $0x3  }
0x97: {  	_ =	strace s4  }
0x98: {  	_ =	strace $0x8FFFFFFF  }
0x99: {  	s19 =	sld [smem:$0x3FDB];
	_ =	sdelay $0x1  }
0x9a: {  	s5 =	simm.s32 $_scs_section_size  }
0x9b: {  	s6 =	simm.s32 $_size__tile_overlayer_lowered;
	s7 =	simm.s32 $_tile_overlayer_lowered  }
0x9c: {  	s22 =	simm.s32 $0x1BFF;
	s21 =	sshll.u32 s7, $0x1;
	s4 =	sadd.s32 s5, s19  }
0x9d: {  	s8 =	simm.s32 $0x0;
	s20 =	sshll.u32 s6, $0x1;
	s6 =	sadd.s32 s21, s4  }
0x9e: {  	[timem:s8], [sflag:s22] =	dma.local [hbm:s6], s20  }
0x9f: {  	_ =	swait.ge [sflag:s22], s20  }
0xa0: {  	s5 =	ssub.s32 $0x0, s20;
	[sflag:s22] =	ssyncset.done $0x0  }
0xa1: {  	[sflag:s22] =	ssyncadd.s32 s5;
	_ =	sdelay $0x1  }
0xa2: {  	s23 =	simm.s32 $0x1B8B  }
0xa3: {  	_ =	swait.ge [sflag:s23], $0x1  }
0xa4: {  	[sflag:s23] =	ssyncset.done $0x0  }
0xa5: {  	s25 =	simm.s32 $0x1B8E;
	s24 =	sld [smem:$0x3FFE];
	[sflag:s23] =	ssyncadd.s32 $0xFFFFFFFF  }
0xa6: {  	s26 =	simm.s32 $execute0_lowered;
	[smem:$0x3FD2] =	sst s25  }
0xa7: {  	s6 =	sshll.u32 s26, $0x1;
	_ =	strace $0x80000046;
	[dreg:$0x1] =	wrdreg $0xFFFFFFFF  }
0xa8: {  	s28 =	simm.s32 $_size_execute0_lowered;
	s4 =	sadd.s32 s4, s6;
	[dreg:$0x0] =	wrdreg $0x0  }
0xa9: {  	s6 =	sshll.u32 s28, $0x1;
	[dreg:$0x2] =	wrdreg s4  }
0xaa: {  	[dreg:$0x3] =	wrdreg s6  }
0xab: {  	[dreg:$0x4] =	wrdreg $0xC0  }
0xac: {  	_ =	task [dreg:s8], $0x5FFFF  }
0xad: {  	[dreg:$0x1] =	wrdreg $0xFFFFFFFF  }
0xae: {  	[dreg:$0x0] =	wrdreg $0x60  }
0xaf: {  	[dreg:$0x2] =	wrdreg s24  }
0xb0: {  	[dreg:$0x3] =	wrdreg s2  }
0xb1: {  	[dreg:$0x4] =	wrdreg s18  }
0xb2: {  	[dreg:$0x5] =	wrdreg $0x9  }
0xb3: {  	_ =	task.clear_ibuf [dreg:s8], $0x6FFFF;
	_ =	strace $0x90000046  }
0xb4: {  	s29 =	simm.s32 $0x9;
	_ =	strace $0x80000048  }
0xb5: {  	_ =	swait.ge [sflag:s29], $0x1  }
0xb6: {  	[sflag:s29] =	ssyncadd.s32 $0xFFFFFFFF  }
0xb7: {  	_ =	strace $0x90000048  }
0xb8: {  	_ =	sfence  }
0xb9: {  	s30 =	sld [smem:$0x0];
	_ =	sdelay $0x2  }
0xba: {  	s31 =	sshll.u32 s1, $0xD;
	s1 =	sshrl.u32 s1, $0x2  }
0xbb: {  	s3 =	sand.u32 $0x4000, s31;
	s1 =	sadd.s32 s1, s30  }
0xbc: {  	s0 =	sor.u32 s3, s0;
	s1 =	sshll.u32 s1, $0x11  }
0xbd: {  	s0 =	sor.u32 s1, s0  }
0xbe: {  	s0 =	sadd.s32 $0x8F2B, s0  }
0xbf: {  	[sflag:s0] =	ssyncadd.remote.s32 $0x1  }
0xc0: {  	_ =	sfence.sel $0xFFFF  }
0xc1: {  	[dreg:$0x0] =	wrdreg $0xFFFFFFFF;
	(pc) =	sbr.abs _section_cstart, $3  }
0xc2: {  	[dreg:$0x1] =	wrdreg $0xFFFFFFFF  }
0xc3: {  	_ =	task.clear_ibuf [dreg:s8], $0x2FFFF;
	_ =	strace $0x9FFFFFFF  }
0xc4: {  	(tm) =	ssettm $0x7FFFFFFF  }
0xc5: {  	_ =	shalt  }
tec
execute0_lowered:
.L_overlay_start_1:
0x0: {  	(tag) =	ssettag $0x1  }
0x1: {  	s0 =	rddreg [dreg:$0x0]  }
0x2: {  	s1 =	rddreg [dreg:$0x2]  }
0x3: {  	s3 =	simm.s32 $0x0;
	s2 =	srdreg.scid;
	s9 =	stileid.u32  }
0x4: {  	s13 =	simm.s32 $0x1;
	s19 =	simm.s32 $0x12800;
	s20 =	simm.s32 $0x13000  }
0x5: {  	s21 =	simm.s32 $0x13800;
	s22 =	simm.s32 $0x14000;
	s23 =	simm.s32 $0x14800  }
0x6: {  	s28 =	simm.s32 $0x16800;
	s29 =	simm.s32 $0x17000;
	s30 =	simm.s32 $0x17800  }
0x7: {  	s31 =	simm.s32 $0x18000;
	s10 =	simm.s32 $0x1B000;
	s11 =	simm.s32 $0x1B800  }
0x8: {  	s12 =	simm.s32 $0x2;
	s14 =	simm.s32 $0x3;
	s17 =	simm.s32 $0x0  }
0x9: {  	[smem:$0x7FF] =	sst s3;
	s2 =	sand.u32 $0x1, s2;
	s5 =	sshll.u32 s9, $0xA  }
0xa: {  	s4 =	sadd.s32 $0x4200, s0;
	s9 =	smul.u32 $0x6C000, s9;
	_ =	strace $0x80000047  }
0xb: {  	s6 =	sshll.u32 s2, $0x9;
	s7 =	ssub.s32 $0x2, s2;
	s2 =	smul.u32 $0x36000, s2  }
0xc: {  	s5 =	sor.u32 s6, s5;
	s24 =	sshrl.u32 s7, $0x1;
	s6 =	sadd.s32 $0x4300, s0  }
0xd: {  	s26 =	sadd.s32 s9, s1;
	s1 =	simm.s32 $0x19800;
	s5 =	sadd.s32 s5, s0  }
.Ltmp0:
0xe: {  	s8 =	ssub.s32 s7, s24;
	s7 =	sadd.s32 $0x4400, s0;
	(pc) =	sbr.rel .LBB2_1-.Ltmp0, $4  }
0xf: {  	s9 =	sadd.s32 s2, s26;
	s24 =	simm.s32 $0x15000;
	s26 =	simm.s32 $0x16000  }
0x10: {  	v2 =	vlaneseq.u32;
	s0 =	simm.s32 $0x18800;
	s2 =	simm.s32 $0x19000;
	s5 =	sadd.s32 $0x200, s5  }
0x11: {  	vm0 =	vmmov $0xffff;
	v1 =	vshrl.u32 v2, $0x3;
	s25 =	smax.u32 s8, $0x1;
	s8 =	simm.s32 $0x1A800;
	[dreg:$0x4] =	wrdreg s5  }
0x12: {  	v0 =	vand.u32 $0x7, v2;
	v2 =	vor.u32 $0x8, v2;
	v1 =	vmul.u32 $0x8, v1;
	[dreg:$0x5] =	wrdreg s25;
	s25 =	simm.s32 $0x15800;
	s5 =	simm.s32 $0x1A000  }
.LBB2_5:
0x13: {  	_ =	swait.ge [sflag:s14], $0xD800  }
0x14: {  	[sflag:s14] =	ssyncset.done $0x0  }
0x15: {  	s16 =	simm.s32 $0x4;
	[sflag:s14] =	ssyncadd.s32 $0xFFFF2800  }
0x16: {  	_ =	swait.ge [sflag:s16], $0xD800  }
0x17: {  	s17 =	rddreg [dreg:$0x6]  }
0x18: {  	s15 =	rddreg [dreg:$0x5];
	s17 =	sadd.s32 $0x1, s17  }
0x19: {  	p0 =	sne.s32 s17, s15  }
.Ltmp1:
0x1a: {  	_ = 	snop;
	(pc) =	sbr.rel @!p0 .LBB2_6-.Ltmp1, $3  }
0x1b: {  	_ =	sdelay $0x1  }
0x1c: {  	[sflag:s16] =	ssyncset.done $0x0  }
0x1d: {  	[sflag:s16] =	ssyncadd.s32 $0xFFFF2800  }
.LBB2_1:
0x1e: {  	[dreg:$0x6] =	wrdreg s17  }
0x1f: {  	s15 =	rddreg [dreg:$0x4];
	s16 =	simm.s32 $0x5  }
0x20: {  	[tilespmem:s3], [sflag:$0x5] =	stream.linear.gather [hbm4b:s15+s3], $0x1000, $0x38;
	[tilespmem:$0x1C000] =	vst v63  }
0x21: {  	_ =	swait.ge [sflag:s16], $0x1000  }
0x22: {  	[sflag:s16] =	ssyncset.done $0x0  }
0x23: {  	[sflag:s16] =	ssyncadd.s32 $0xFFFFF000  }
0x24: {  	s18 =	simm.s32 $0x1000;
	s15 =	rddreg [dreg:$0x1]  }
0x25: {  	[tilespmem:s18], [sflag:$0x5] =	stream.linear.gather [hbm4b:s15+s3], $0x1800, $0x38;
	[tilespmem:$0x1C000] =	vst v63  }
0x26: {  	_ =	swait.ge [sflag:s16], $0x1800  }
0x27: {  	[sflag:s16] =	ssyncset.done $0x0  }
0x28: {  	s18 =	simm.s32 $0xE800;
	[sflag:s16] =	ssyncadd.s32 $0xFFFFE800  }
0x29: {  	[tilespmem:s18], [sflag:$0x5] =	stream.linear.gather [hbm4b:s15+s3], $0x1800, $0x38;
	[tilespmem:$0x1C000] =	vst v63  }
0x2a: {  	_ =	swait.ge [sflag:s16], $0x1800  }
0x2b: {  	[sflag:s16] =	ssyncset.done $0x0  }
0x2c: {  	[sflag:s16] =	ssyncadd.s32 $0xFFFFE800  }
0x2d: {  	v3 =	vld [tilespmem:$0x0];
	_ =	sdelay $0x4  }
0x2e: {  	v4 =	vshrl.u32 v3, $0x3  }
0x2f: {  	v4 =	vmul.u32 $0x30, v4  }
0x30: {  	v3 =	vand.u32 $0x7, v3  }
0x31: {  	v3 =	vor.u32 v3, v4  }
0x32: {  	v4 =	vperm.xlane v3, v0;
	_ =	sdelay $0x1  }
0x33: {  	v4 =	vadd.s32 v1, v4;
	_ =	sdelay $0x3  }
0x34: {  	s16 =	simm.s32 $0x2800;
	v3 =	vperm.xlane v3, v2  }
0x35: {  	[tilespmem:s16], [sflag:$0x1] =	stream.indirect_vreg.gather [hbm4b:s4+s3], $0x80, v4, vm0, $0xb8;
	[tilespmem:$0x1C000] =	vst v63  }
0x36: {  	s17 =	simm.s32 $0x3000;
	v3 =	vadd.s32 v1, v3  }
0x37: {  	[tilespmem:s17], [sflag:$0x1] =	stream.indirect_vreg.gather [hbm4b:s6+s3], $0x80, v4, vm0, $0xb8;
	[tilespmem:$0x1C000] =	vst v63  }
0x38: {  	s18 =	simm.s32 $0x3800  }
0x39: {  	[tilespmem:s18], [sflag:$0x1] =	stream.indirect_vreg.gather [hbm4b:s7+s3], $0x80, v4, vm0, $0xb8;
	[tilespmem:$0x1C000] =	vst v63  }
0x3a: {  	s16 =	simm.s32 $0x4000  }
0x3b: {  	[tilespmem:s16], [sflag:$0x1] =	stream.indirect_vreg.gather [hbm4b:s4+s3], $0x80, v3, vm0, $0xb8;
	[tilespmem:$0x1C000] =	vst v63  }
0x3c: {  	s17 =	simm.s32 $0x4800  }
0x3d: {  	[tilespmem:s17], [sflag:$0x1] =	stream.indirect_vreg.gather [hbm4b:s6+s3], $0x80, v3, vm0, $0xb8;
	[tilespmem:$0x1C000] =	vst v63  }
0x3e: {  	s18 =	simm.s32 $0x5000  }
0x3f: {  	[tilespmem:s18], [sflag:$0x1] =	stream.indirect_vreg.gather [hbm4b:s7+s3], $0x80, v3, vm0, $0xb8;
	[tilespmem:$0x1C000] =	vst v63  }
0x40: {  	v3 =	vld [tilespmem:$0x10];
	_ =	sdelay $0x4  }
0x41: {  	v61 =	vshrl.u32 v3, $0x3  }
0x42: {  	v4 =	vmul.u32 $0x30, v61  }
0x43: {  	v3 =	vand.u32 $0x7, v3  }
0x44: {  	v3 =	vor.u32 v3, v4  }
0x45: {  	v4 =	vperm.xlane v3, v0;
	_ =	sdelay $0x1  }
0x46: {  	v4 =	vadd.s32 v1, v4;
	_ =	sdelay $0x3  }
0x47: {  	s16 =	simm.s32 $0x5800;
	v3 =	vperm.xlane v3, v2  }
0x48: {  	[tilespmem:s16], [sflag:$0x1] =	stream.indirect_vreg.gather [hbm4b:s4+s3], $0x80, v4, vm0, $0xb8;
	[tilespmem:$0x1C000] =	vst v63  }
0x49: {  	s17 =	simm.s32 $0x6000;
	v3 =	vadd.s32 v1, v3  }
0x4a: {  	[tilespmem:s17], [sflag:$0x1] =	stream.indirect_vreg.gather [hbm4b:s6+s3], $0x80, v4, vm0, $0xb8;
	[tilespmem:$0x1C000] =	vst v63  }
0x4b: {  	s18 =	simm.s32 $0x6800  }
0x4c: {  	[tilespmem:s18], [sflag:$0x1] =	stream.indirect_vreg.gather [hbm4b:s7+s3], $0x80, v4, vm0, $0xb8;
	[tilespmem:$0x1C000] =	vst v63  }
0x4d: {  	s16 =	simm.s32 $0x7000  }
0x4e: {  	[tilespmem:s16], [sflag:$0x1] =	stream.indirect_vreg.gather [hbm4b:s4+s3], $0x80, v3, vm0, $0xb8;
	[tilespmem:$0x1C000] =	vst v63  }
0x4f: {  	s17 =	simm.s32 $0x7800  }
0x50: {  	[tilespmem:s17], [sflag:$0x1] =	stream.indirect_vreg.gather [hbm4b:s6+s3], $0x80, v3, vm0, $0xb8;
	[tilespmem:$0x1C000] =	vst v63  }
0x51: {  	s18 =	simm.s32 $0x8000  }
0x52: {  	[tilespmem:s18], [sflag:$0x1] =	stream.indirect_vreg.gather [hbm4b:s7+s3], $0x80, v3, vm0, $0xb8;
	[tilespmem:$0x1C000] =	vst v63  }
0x53: {  	v3 =	vld [tilespmem:$0x20];
	_ =	sdelay $0x4  }
0x54: {  	v62 =	vshrl.u32 v3, $0x3  }
0x55: {  	v4 =	vmul.u32 $0x30, v62  }
0x56: {  	v3 =	vand.u32 $0x7, v3  }
0x57: {  	v3 =	vor.u32 v3, v4  }
0x58: {  	v4 =	vperm.xlane v3, v0;
	_ =	sdelay $0x1  }
0x59: {  	v4 =	vadd.s32 v1, v4;
	_ =	sdelay $0x3  }
0x5a: {  	s16 =	simm.s32 $0x8800;
	v3 =	vperm.xlane v3, v2  }
0x5b: {  	[tilespmem:s16], [sflag:$0x1] =	stream.indirect_vreg.gather [hbm4b:s4+s3], $0x80, v4, vm0, $0xb8;
	[tilespmem:$0x1C000] =	vst v63  }
0x5c: {  	s17 =	simm.s32 $0x9000;
	v3 =	vadd.s32 v1, v3  }
0x5d: {  	[tilespmem:s17], [sflag:$0x1] =	stream.indirect_vreg.gather [hbm4b:s6+s3], $0x80, v4, vm0, $0xb8;
	[tilespmem:$0x1C000] =	vst v63  }
0x5e: {  	s18 =	simm.s32 $0x9800  }
0x5f: {  	[tilespmem:s18], [sflag:$0x1] =	stream.indirect_vreg.gather [hbm4b:s7+s3], $0x80, v4, vm0, $0xb8;
	[tilespmem:$0x1C000] =	vst v63  }
0x60: {  	s16 =	simm.s32 $0xA000  }
0x61: {  	[tilespmem:s16], [sflag:$0x1] =	stream.indirect_vreg.gather [hbm4b:s4+s3], $0x80, v3, vm0, $0xb8;
	[tilespmem:$0x1C000] =	vst v63  }
0x62: {  	s17 =	simm.s32 $0xA800  }
0x63: {  	[tilespmem:s17], [sflag:$0x1] =	stream.indirect_vreg.gather [hbm4b:s6+s3], $0x80, v3, vm0, $0xb8;
	[tilespmem:$0x1C000] =	vst v63  }
0x64: {  	s18 =	simm.s32 $0xB000  }
0x65: {  	[tilespmem:s18], [sflag:$0x1] =	stream.indirect_vreg.gather [hbm4b:s7+s3], $0x80, v3, vm0, $0xb8;
	[tilespmem:$0x1C000] =	vst v63  }
0x66: {  	v3 =	vld [tilespmem:$0x30];
	_ =	sdelay $0x4  }
0x67: {  	v63 =	vshrl.u32 v3, $0x3  }
0x68: {  	v4 =	vmul.u32 $0x30, v63  }
0x69: {  	v3 =	vand.u32 $0x7, v3  }
0x6a: {  	v3 =	vor.u32 v3, v4  }
0x6b: {  	v4 =	vperm.xlane v3, v0;
	_ =	sdelay $0x1  }
0x6c: {  	v4 =	vadd.s32 v1, v4;
	_ =	sdelay $0x3  }
0x6d: {  	s16 =	simm.s32 $0xB800;
	v3 =	vperm.xlane v3, v2  }
0x6e: {  	[tilespmem:s16], [sflag:$0x1] =	stream.indirect_vreg.gather [hbm4b:s4+s3], $0x80, v4, vm0, $0xb8;
	[tilespmem:$0x1C000] =	vst v63  }
0x6f: {  	s17 =	simm.s32 $0xC000;
	v3 =	vadd.s32 v1, v3  }
0x70: {  	[tilespmem:s17], [sflag:$0x1] =	stream.indirect_vreg.gather [hbm4b:s6+s3], $0x80, v4, vm0, $0xb8;
	[tilespmem:$0x1C000] =	vst v63  }
0x71: {  	s18 =	simm.s32 $0xC800  }
0x72: {  	[tilespmem:s18], [sflag:$0x1] =	stream.indirect_vreg.gather [hbm4b:s7+s3], $0x80, v4, vm0, $0xb8;
	[tilespmem:$0x1C000] =	vst v63  }
0x73: {  	s16 =	simm.s32 $0xD000  }
0x74: {  	[tilespmem:s16], [sflag:$0x1] =	stream.indirect_vreg.gather [hbm4b:s4+s3], $0x80, v3, vm0, $0xb8;
	[tilespmem:$0x1C000] =	vst v63  }
.Ltmp2:
0x75: {  	_ = 	snop;
	(pc) =	sbr.rel .LBB2_2-.Ltmp2, $4  }
0x76: {  	s17 =	simm.s32 $0xD800  }
0x77: {  	[tilespmem:s17], [sflag:$0x1] =	stream.indirect_vreg.gather [hbm4b:s6+s3], $0x80, v3, vm0, $0xb8;
	[tilespmem:$0x1C000] =	vst v63  }
0x78: {  	s15 =	simm.s32 $0xA0;
	s18 =	simm.s32 $0xE000;
	s16 =	simm.s32 $0x0  }
0x79: {  	[tilespmem:s18], [sflag:$0x1] =	stream.indirect_vreg.gather [hbm4b:s7+s3], $0x80, v3, vm0, $0xb8;
	[tilespmem:$0x1C000] =	vst v63  }
.LBB2_4:
0x7a: {  	s16 =	sadd.s32 $0x3600, s16  }
0x7b: {  	p0 =	sne.s32 s16, $0x36000  }
.Ltmp3:
0x7c: {  	_ = 	snop;
	(pc) =	sbr.rel @!p0 .LBB2_5-.Ltmp3, $3  }
0x7d: {  	_ =	sdelay $0x1  }
0x7e: {  	s17 =	sadd.s32 $0x1B00, s17;
	s18 =	simm.s32 $0xE800;
	s15 =	sadd.s32 $0x100, s15  }
0x7f: {  	[hbm4b:s17+s3] =	stream.linear.scatter [tilespmem:s18], [sflag:$0x4], $0xD800, $0x38;
	[tilespmem:$0x1C000] =	vst v63  }
.LBB2_2:
0x80: {  	_ =	swait.ge [sflag:s13], $0xC000  }
0x81: {  	p0 =	seq.s32 s16, $0x0;
	[sflag:s13] =	ssyncset.done $0x0  }
0x82: {  	s17 =	simm.s32 @!p0 $0x4;
	[sflag:s13] =	ssyncadd.s32 $0xFFFF4000  }
0x83: {  	_ =	swait.ge @!p0 [sflag:s17], $0xD800  }
0x84: {  	[sflag:s17] =	ssyncset.done @!p0 $0x0  }
0x85: {  	[sflag:s17] =	ssyncadd.s32 @!p0 $0xFFFF2800  }
0x86: {  	v3 =	vld [tilespmem:s15+$0xFFFFFFE0];
	_ =	sdelay $0x4  }
0x87: {  	v4 =	vshrl.u32 v3, $0x3  }
0x88: {  	v4 =	vmul.u32 $0x30, v4  }
0x89: {  	v3 =	vand.u32 $0x7, v3  }
0x8a: {  	v3 =	vor.u32 v3, v4  }
0x8b: {  	v4 =	vperm.xlane v3, v0;
	_ =	sdelay $0x1  }
0x8c: {  	v4 =	vadd.s32 v1, v4;
	_ =	sdelay $0x3  }
0x8d: {  	s18 =	simm.s32 $0x10000;
	v3 =	vperm.xlane v3, v2  }
0x8e: {  	[tilespmem:s18], [sflag:$0x2] =	stream.indirect_vreg.gather [hbm4b:s4+s3], $0x80, v4, vm0, $0xb8;
	[tilespmem:$0x1C000] =	vst v63  }
0x8f: {  	v3 =	vadd.s32 v1, v3;
	s18 =	simm.s32 $0x10800  }
0x90: {  	[tilespmem:s18], [sflag:$0x2] =	stream.indirect_vreg.gather [hbm4b:s6+s3], $0x80, v4, vm0, $0xb8;
	[tilespmem:$0x1C000] =	vst v63  }
0x91: {  	s18 =	simm.s32 $0x11000  }
0x92: {  	[tilespmem:s18], [sflag:$0x2] =	stream.indirect_vreg.gather [hbm4b:s7+s3], $0x80, v4, vm0, $0xb8;
	[tilespmem:$0x1C000] =	vst v63  }
0x93: {  	s18 =	simm.s32 $0x11800  }
0x94: {  	[tilespmem:s18], [sflag:$0x2] =	stream.indirect_vreg.gather [hbm4b:s4+s3], $0x80, v3, vm0, $0xb8;
	[tilespmem:$0x1C000] =	vst v63  }
0x95: {  	s18 =	simm.s32 $0x12000  }
0x96: {  	[tilespmem:s18], [sflag:$0x2] =	stream.indirect_vreg.gather [hbm4b:s6+s3], $0x80, v3, vm0, $0xb8;
	[tilespmem:$0x1C000] =	vst v63  }
0x97: {  	_ = 	snop  }
0x98: {  	[tilespmem:s19], [sflag:$0x2] =	stream.indirect_vreg.gather [hbm4b:s7+s3], $0x80, v3, vm0, $0xb8;
	[tilespmem:$0x1C000] =	vst v63  }
0x99: {  	v3 =	vld [tilespmem:s15+$0xFFFFFFF0];
	_ =	sdelay $0x4  }
0x9a: {  	v61 =	vshrl.u32 v3, $0x3  }
0x9b: {  	v4 =	vmul.u32 $0x30, v61  }
0x9c: {  	v3 =	vand.u32 $0x7, v3  }
0x9d: {  	v3 =	vor.u32 v3, v4  }
0x9e: {  	v4 =	vperm.xlane v3, v0;
	_ =	sdelay $0x1  }
0x9f: {  	v4 =	vadd.s32 v1, v4;
	_ =	sdelay $0x3  }
0xa0: {  	v3 =	vperm.xlane v3, v2  }
0xa1: {  	[tilespmem:s20], [sflag:$0x2] =	stream.indirect_vreg.gather [hbm4b:s4+s3], $0x80, v4, vm0, $0xb8;
	[tilespmem:$0x1C000] =	vst v63  }
0xa2: {  	v3 =	vadd.s32 v1, v3  }
0xa3: {  	[tilespmem:s21], [sflag:$0x2] =	stream.indirect_vreg.gather [hbm4b:s6+s3], $0x80, v4, vm0, $0xb8;
	[tilespmem:$0x1C000] =	vst v63  }
0xa4: {  	_ = 	snop  }
0xa5: {  	[tilespmem:s22], [sflag:$0x2] =	stream.indirect_vreg.gather [hbm4b:s7+s3], $0x80, v4, vm0, $0xb8;
	[tilespmem:$0x1C000] =	vst v63  }
0xa6: {  	_ = 	snop  }
0xa7: {  	[tilespmem:s23], [sflag:$0x2] =	stream.indirect_vreg.gather [hbm4b:s4+s3], $0x80, v3, vm0, $0xb8;
	[tilespmem:$0x1C000] =	vst v63  }
0xa8: {  	_ = 	snop  }
0xa9: {  	[tilespmem:s24], [sflag:$0x2] =	stream.indirect_vreg.gather [hbm4b:s6+s3], $0x80, v3, vm0, $0xb8;
	[tilespmem:$0x1C000] =	vst v63  }
0xaa: {  	_ = 	snop  }
0xab: {  	[tilespmem:s25], [sflag:$0x2] =	stream.indirect_vreg.gather [hbm4b:s7+s3], $0x80, v3, vm0, $0xb8;
	[tilespmem:$0x1C000] =	vst v63  }
0xac: {  	v3 =	vld [tilespmem:s15+$0x0];
	_ =	sdelay $0x4  }
0xad: {  	v62 =	vshrl.u32 v3, $0x3  }
0xae: {  	v4 =	vmul.u32 $0x30, v62  }
0xaf: {  	v3 =	vand.u32 $0x7, v3  }
0xb0: {  	v3 =	vor.u32 v3, v4  }
0xb1: {  	v4 =	vperm.xlane v3, v0;
	_ =	sdelay $0x1  }
0xb2: {  	v4 =	vadd.s32 v1, v4;
	_ =	sdelay $0x3  }
0xb3: {  	v3 =	vperm.xlane v3, v2  }
0xb4: {  	[tilespmem:s26], [sflag:$0x2] =	stream.indirect_vreg.gather [hbm4b:s4+s3], $0x80, v4, vm0, $0xb8;
	[tilespmem:$0x1C000] =	vst v63  }
0xb5: {  	v3 =	vadd.s32 v1, v3  }
0xb6: {  	[tilespmem:s28], [sflag:$0x2] =	stream.indirect_vreg.gather [hbm4b:s6+s3], $0x80, v4, vm0, $0xb8;
	[tilespmem:$0x1C000] =	vst v63  }
0xb7: {  	_ = 	snop  }
0xb8: {  	[tilespmem:s29], [sflag:$0x2] =	stream.indirect_vreg.gather [hbm4b:s7+s3], $0x80, v4, vm0, $0xb8;
	[tilespmem:$0x1C000] =	vst v63  }
0xb9: {  	_ = 	snop  }
0xba: {  	[tilespmem:s30], [sflag:$0x2] =	stream.indirect_vreg.gather [hbm4b:s4+s3], $0x80, v3, vm0, $0xb8;
	[tilespmem:$0x1C000] =	vst v63  }
0xbb: {  	_ = 	snop  }
0xbc: {  	[tilespmem:s31], [sflag:$0x2] =	stream.indirect_vreg.gather [hbm4b:s6+s3], $0x80, v3, vm0, $0xb8;
	[tilespmem:$0x1C000] =	vst v63  }
0xbd: {  	_ = 	snop  }
0xbe: {  	[tilespmem:s0], [sflag:$0x2] =	stream.indirect_vreg.gather [hbm4b:s7+s3], $0x80, v3, vm0, $0xb8;
	[tilespmem:$0x1C000] =	vst v63  }
0xbf: {  	v3 =	vld [tilespmem:s15+$0x10];
	_ =	sdelay $0x4  }
0xc0: {  	v63 =	vshrl.u32 v3, $0x3  }
0xc1: {  	v4 =	vmul.u32 $0x30, v63  }
0xc2: {  	v3 =	vand.u32 $0x7, v3  }
0xc3: {  	v3 =	vor.u32 v3, v4  }
0xc4: {  	v4 =	vperm.xlane v3, v0;
	_ =	sdelay $0x1  }
0xc5: {  	v4 =	vadd.s32 v1, v4;
	_ =	sdelay $0x3  }
0xc6: {  	v3 =	vperm.xlane v3, v2  }
0xc7: {  	[tilespmem:s2], [sflag:$0x2] =	stream.indirect_vreg.gather [hbm4b:s4+s3], $0x80, v4, vm0, $0xb8;
	[tilespmem:$0x1C000] =	vst v63  }
0xc8: {  	v3 =	vadd.s32 v1, v3  }
0xc9: {  	[tilespmem:s1], [sflag:$0x2] =	stream.indirect_vreg.gather [hbm4b:s6+s3], $0x80, v4, vm0, $0xb8;
	[tilespmem:$0x1C000] =	vst v63  }
0xca: {  	_ = 	snop  }
0xcb: {  	[tilespmem:s5], [sflag:$0x2] =	stream.indirect_vreg.gather [hbm4b:s7+s3], $0x80, v4, vm0, $0xb8;
	[tilespmem:$0x1C000] =	vst v63  }
0xcc: {  	_ = 	snop  }
0xcd: {  	[tilespmem:s8], [sflag:$0x2] =	stream.indirect_vreg.gather [hbm4b:s4+s3], $0x80, v3, vm0, $0xb8;
	[tilespmem:$0x1C000] =	vst v63  }
0xce: {  	_ = 	snop  }
0xcf: {  	[tilespmem:s10], [sflag:$0x2] =	stream.indirect_vreg.gather [hbm4b:s6+s3], $0x80, v3, vm0, $0xb8;
	[tilespmem:$0x1C000] =	vst v63  }
0xd0: {  	p0 =	seq.s32 s16, $0x32A00  }
0xd1: {  	[tilespmem:s11], [sflag:$0x2] =	stream.indirect_vreg.gather [hbm4b:s7+s3], $0x80, v3, vm0, $0xb8;
	[tilespmem:$0x1C000] =	vst v63  }
.Ltmp4:
0xd2: {  	s17 =	sadd.s32 s16, s9;
	s18 =	simm.s32 $0x1000;
	(pc) =	sbr.rel @p0 .LBB2_4-.Ltmp4, $4  }
0xd3: {  	[hbm4b:s17+s3] =	stream.linear.scatter [tilespmem:s18], [sflag:$0x3], $0xD800, $0x38;
	[tilespmem:$0x1C000] =	vst v63  }
0xd4: {  	_ =	swait.ge [sflag:s12], $0xC000  }
0xd5: {  	[sflag:s12] =	ssyncset.done $0x0  }
0xd6: {  	[sflag:s12] =	ssyncadd.s32 $0xFFFF4000  }
0xd7: {  	_ =	swait.ge [sflag:s14], $0xD800  }
0xd8: {  	[sflag:s14] =	ssyncset.done $0x0  }
0xd9: {  	[sflag:s14] =	ssyncadd.s32 $0xFFFF2800  }
0xda: {  	v3 =	vld [tilespmem:s15+$0x60];
	_ =	sdelay $0x4  }
0xdb: {  	v4 =	vshrl.u32 v3, $0x3  }
0xdc: {  	v4 =	vmul.u32 $0x30, v4  }
0xdd: {  	v3 =	vand.u32 $0x7, v3  }
0xde: {  	v3 =	vor.u32 v3, v4  }
0xdf: {  	v4 =	vperm.xlane v3, v0;
	_ =	sdelay $0x1  }
0xe0: {  	v4 =	vadd.s32 v1, v4;
	_ =	sdelay $0x3  }
0xe1: {  	s18 =	simm.s32 $0x2800;
	v3 =	vperm.xlane v3, v2  }
0xe2: {  	[tilespmem:s18], [sflag:$0x1] =	stream.indirect_vreg.gather [hbm4b:s4+s3], $0x80, v4, vm0, $0xb8;
	[tilespmem:$0x1C000] =	vst v63  }
0xe3: {  	v3 =	vadd.s32 v1, v3;
	s18 =	simm.s32 $0x3000  }
0xe4: {  	[tilespmem:s18], [sflag:$0x1] =	stream.indirect_vreg.gather [hbm4b:s6+s3], $0x80, v4, vm0, $0xb8;
	[tilespmem:$0x1C000] =	vst v63  }
0xe5: {  	s18 =	simm.s32 $0x3800  }
0xe6: {  	[tilespmem:s18], [sflag:$0x1] =	stream.indirect_vreg.gather [hbm4b:s7+s3], $0x80, v4, vm0, $0xb8;
	[tilespmem:$0x1C000] =	vst v63  }
0xe7: {  	s18 =	simm.s32 $0x4000  }
0xe8: {  	[tilespmem:s18], [sflag:$0x1] =	stream.indirect_vreg.gather [hbm4b:s4+s3], $0x80, v3, vm0, $0xb8;
	[tilespmem:$0x1C000] =	vst v63  }
0xe9: {  	s18 =	simm.s32 $0x4800  }
0xea: {  	[tilespmem:s18], [sflag:$0x1] =	stream.indirect_vreg.gather [hbm4b:s6+s3], $0x80, v3, vm0, $0xb8;
	[tilespmem:$0x1C000] =	vst v63  }
0xeb: {  	s18 =	simm.s32 $0x5000  }
0xec: {  	[tilespmem:s18], [sflag:$0x1] =	stream.indirect_vreg.gather [hbm4b:s7+s3], $0x80, v3, vm0, $0xb8;
	[tilespmem:$0x1C000] =	vst v63  }
0xed: {  	v3 =	vld [tilespmem:s15+$0x70];
	_ =	sdelay $0x4  }
0xee: {  	v61 =	vshrl.u32 v3, $0x3  }
0xef: {  	v4 =	vmul.u32 $0x30, v61  }
0xf0: {  	v3 =	vand.u32 $0x7, v3  }
0xf1: {  	v3 =	vor.u32 v3, v4  }
0xf2: {  	v4 =	vperm.xlane v3, v0;
	_ =	sdelay $0x1  }
0xf3: {  	v4 =	vadd.s32 v1, v4;
	_ =	sdelay $0x3  }
0xf4: {  	s18 =	simm.s32 $0x5800;
	v3 =	vperm.xlane v3, v2  }
0xf5: {  	[tilespmem:s18], [sflag:$0x1] =	stream.indirect_vreg.gather [hbm4b:s4+s3], $0x80, v4, vm0, $0xb8;
	[tilespmem:$0x1C000] =	vst v63  }
0xf6: {  	v3 =	vadd.s32 v1, v3;
	s18 =	simm.s32 $0x6000  }
0xf7: {  	[tilespmem:s18], [sflag:$0x1] =	stream.indirect_vreg.gather [hbm4b:s6+s3], $0x80, v4, vm0, $0xb8;
	[tilespmem:$0x1C000] =	vst v63  }
0xf8: {  	s18 =	simm.s32 $0x6800  }
0xf9: {  	[tilespmem:s18], [sflag:$0x1] =	stream.indirect_vreg.gather [hbm4b:s7+s3], $0x80, v4, vm0, $0xb8;
	[tilespmem:$0x1C000] =	vst v63  }
0xfa: {  	s18 =	simm.s32 $0x7000  }
0xfb: {  	[tilespmem:s18], [sflag:$0x1] =	stream.indirect_vreg.gather [hbm4b:s4+s3], $0x80, v3, vm0, $0xb8;
	[tilespmem:$0x1C000] =	vst v63  }
0xfc: {  	s18 =	simm.s32 $0x7800  }
0xfd: {  	[tilespmem:s18], [sflag:$0x1] =	stream.indirect_vreg.gather [hbm4b:s6+s3], $0x80, v3, vm0, $0xb8;
	[tilespmem:$0x1C000] =	vst v63  }
0xfe: {  	s18 =	simm.s32 $0x8000  }
0xff: {  	[tilespmem:s18], [sflag:$0x1] =	stream.indirect_vreg.gather [hbm4b:s7+s3], $0x80, v3, vm0, $0xb8;
	[tilespmem:$0x1C000] =	vst v63  }
0x100: {  	v3 =	vld [tilespmem:s15+$0x80];
	_ =	sdelay $0x4  }
0x101: {  	v62 =	vshrl.u32 v3, $0x3  }
0x102: {  	v4 =	vmul.u32 $0x30, v62  }
0x103: {  	v3 =	vand.u32 $0x7, v3  }
0x104: {  	v3 =	vor.u32 v3, v4  }
0x105: {  	v4 =	vperm.xlane v3, v0;
	_ =	sdelay $0x1  }
0x106: {  	v4 =	vadd.s32 v1, v4;
	_ =	sdelay $0x3  }
0x107: {  	s18 =	simm.s32 $0x8800;
	v3 =	vperm.xlane v3, v2  }
0x108: {  	[tilespmem:s18], [sflag:$0x1] =	stream.indirect_vreg.gather [hbm4b:s4+s3], $0x80, v4, vm0, $0xb8;
	[tilespmem:$0x1C000] =	vst v63  }
0x109: {  	v3 =	vadd.s32 v1, v3;
	s18 =	simm.s32 $0x9000  }
0x10a: {  	[tilespmem:s18], [sflag:$0x1] =	stream.indirect_vreg.gather [hbm4b:s6+s3], $0x80, v4, vm0, $0xb8;
	[tilespmem:$0x1C000] =	vst v63  }
0x10b: {  	s18 =	simm.s32 $0x9800  }
0x10c: {  	[tilespmem:s18], [sflag:$0x1] =	stream.indirect_vreg.gather [hbm4b:s7+s3], $0x80, v4, vm0, $0xb8;
	[tilespmem:$0x1C000] =	vst v63  }
0x10d: {  	s18 =	simm.s32 $0xA000  }
0x10e: {  	[tilespmem:s18], [sflag:$0x1] =	stream.indirect_vreg.gather [hbm4b:s4+s3], $0x80, v3, vm0, $0xb8;
	[tilespmem:$0x1C000] =	vst v63  }
0x10f: {  	s18 =	simm.s32 $0xA800  }
0x110: {  	[tilespmem:s18], [sflag:$0x1] =	stream.indirect_vreg.gather [hbm4b:s6+s3], $0x80, v3, vm0, $0xb8;
	[tilespmem:$0x1C000] =	vst v63  }
0x111: {  	s18 =	simm.s32 $0xB000  }
0x112: {  	[tilespmem:s18], [sflag:$0x1] =	stream.indirect_vreg.gather [hbm4b:s7+s3], $0x80, v3, vm0, $0xb8;
	[tilespmem:$0x1C000] =	vst v63  }
0x113: {  	v3 =	vld [tilespmem:s15+$0x90];
	_ =	sdelay $0x4  }
0x114: {  	v63 =	vshrl.u32 v3, $0x3  }
0x115: {  	v4 =	vmul.u32 $0x30, v63  }
0x116: {  	v3 =	vand.u32 $0x7, v3  }
0x117: {  	v3 =	vor.u32 v3, v4  }
0x118: {  	v4 =	vperm.xlane v3, v0;
	_ =	sdelay $0x1  }
0x119: {  	v4 =	vadd.s32 v1, v4;
	_ =	sdelay $0x3  }
0x11a: {  	s18 =	simm.s32 $0xB800;
	v3 =	vperm.xlane v3, v2  }
0x11b: {  	[tilespmem:s18], [sflag:$0x1] =	stream.indirect_vreg.gather [hbm4b:s4+s3], $0x80, v4, vm0, $0xb8;
	[tilespmem:$0x1C000] =	vst v63  }
0x11c: {  	v3 =	vadd.s32 v1, v3;
	s18 =	simm.s32 $0xC000  }
0x11d: {  	[tilespmem:s18], [sflag:$0x1] =	stream.indirect_vreg.gather [hbm4b:s6+s3], $0x80, v4, vm0, $0xb8;
	[tilespmem:$0x1C000] =	vst v63  }
0x11e: {  	s18 =	simm.s32 $0xC800  }
0x11f: {  	[tilespmem:s18], [sflag:$0x1] =	stream.indirect_vreg.gather [hbm4b:s7+s3], $0x80, v4, vm0, $0xb8;
	[tilespmem:$0x1C000] =	vst v63  }
0x120: {  	s18 =	simm.s32 $0xD000  }
0x121: {  	[tilespmem:s18], [sflag:$0x1] =	stream.indirect_vreg.gather [hbm4b:s4+s3], $0x80, v3, vm0, $0xb8;
	[tilespmem:$0x1C000] =	vst v63  }
.Ltmp5:
0x122: {  	_ = 	snop;
	(pc) =	sbr.rel .LBB2_4-.Ltmp5, $4  }
0x123: {  	s18 =	simm.s32 $0xD800  }
0x124: {  	[tilespmem:s18], [sflag:$0x1] =	stream.indirect_vreg.gather [hbm4b:s6+s3], $0x80, v3, vm0, $0xb8;
	[tilespmem:$0x1C000] =	vst v63  }
0x125: {  	s18 =	simm.s32 $0xE000  }
0x126: {  	[tilespmem:s18], [sflag:$0x1] =	stream.indirect_vreg.gather [hbm4b:s7+s3], $0x80, v3, vm0, $0xb8;
	[tilespmem:$0x1C000] =	vst v63  }
.LBB2_6:
0x127: {  	_ =	sfence.sel $0x180000  }
0x128: {  	[bflag:$0x0] =	sbarrier.arrive $0xFFFF  }
0x129: {  	_ =	strace $0x90000047  }
0x12a: {  	s0 =	stileid.u32;
	[bflag:$0x2] =	sbarrier.arrive $0xFFFF  }
0x12b: {  	p0 =	sne.s32 s0, $0x0;
	s0 =	rddreg [dreg:$0x3]  }
0x12c: {  	s0 =	sadd.s32 @!p0 $0x100000, s0  }
0x12d: {  	[sflag:s0] =	ssyncadd.tile.s32 @!p0 $0x1;
	_ =	shalt  }
.Lfunc_end2:
_tile_overlayer_lowered:
.L_overlay_start_2:
0x12e: {  	(tag) =	ssettag $0x2  }
0x12f: {  	s0 =	rddreg [dreg:$0x0];
	s2 =	stileid.u32  }
0x130: {  	s1 =	rddreg [dreg:$0x1];
	p0 =	sne.s32 s2, $0x0  }
0x131: {  	s3 =	rddreg [dreg:$0x2];
	[bflag:$0x3] =	sbarrier.arrive $0xFFFF;
	s2 =	simm.s32 @!p0 $0x1C05  }
0x132: {  	[timem:s3], [sflag:s2] =	dma.local @!p0 [hbm:s0], s1  }
0x133: {  	s0 =	simm.s32 @!p0 $0x5  }
0x134: {  	_ =	swait.ge @!p0 [sflag:s0], s1  }
0x135: {  	s1 =	ssub.s32 @!p0 $0x0, s1;
	[sflag:s0] =	ssyncset.done @!p0 $0x0  }
0x136: {  	[sflag:s0] =	ssyncadd.s32 @!p0 s1  }
0x137: {  	[bflag:$0x3] =	sbarrier.arrive $0xFFFF  }
0x138: {  	_ =	shalt  }

</sc_bundles>
